<compile_context>
chip_gen: v7x
topology: tpu7x:2x2x1
jax: 0.10.2.dev20260603
libtpu: 0.0.44.dev20260713+nightly
codegen_flags: <defaults>
</compile_context>

<pallas_src>
import jax
import jax.numpy as jnp
from jax import lax
from jax.experimental import pallas as pl
from jax.experimental.pallas import tpu as pltpu
from jax.experimental.pallas import tpu_sc as plsc

ROWS, FEAT = 52, 5
NI, NJ = 16384, 50
NW = 32
W = 256
SLABS = NI // (NW * W)
TROWS = ROWS
HALVES = ((0, 24), (24, 26))


def _body(idx_hbm, tcols_hbm, out_hbm,
          table_v, idx_v0, idx_v1, out_v,
          in_sem0, in_sem1, out_semA, out_semB):
    idx_bufs = (idx_v0, idx_v1)
    out_sems = (out_semA, out_semB)
    wid = lax.axis_index("c") * 16 + lax.axis_index("s")
    base = wid * SLABS * W
    in_copies = [
        pltpu.async_copy(idx_hbm.at[:, pl.ds(base + s * W, W)],
                         idx_bufs[s], (in_sem0, in_sem1)[s])
        for s in range(SLABS)
    ]
    pltpu.sync_copy(tcols_hbm, table_v)
    fvecs = [jnp.full((16,), f, jnp.int32) for f in range(FEAT)]
    pending = {}
    for s in range(SLABS):
        idx_v = idx_bufs[s]
        in_copies[s].wait()
        for h, (j0, nrows) in enumerate(HALVES):
            if j0 in pending:
                pending[j0].wait()

            @plsc.parallel_loop(j0 * (W // 16), (j0 + nrows) * (W // 16),
                                unroll=8)
            def t_body(t, idx_v=idx_v):
                j = t >> 4
                o = (t & 15) << 4
                vi = idx_v[j, pl.ds(o, 16)]
                for f in range(FEAT):
                    g = plsc.load_gather(table_v, [fvecs[f], vi])
                    out_v[f, j, pl.ds(o, 16)] = g
            pending[j0] = pltpu.async_copy(
                out_v.at[:, pl.ds(j0, nrows), :],
                out_hbm.at[:, pl.ds(j0, nrows), pl.ds(base + s * W, W)],
                out_sems[h])
    for d in pending.values():
        d.wait()


_mesh = plsc.VectorSubcoreMesh(core_axis_name="c", subcore_axis_name="s")

_lookup = pl.kernel(
    _body,
    out_type=jax.ShapeDtypeStruct((FEAT, NJ, NI), jnp.float32),
    mesh=_mesh,
    scratch_types=[
        pltpu.VMEM((FEAT, TROWS), jnp.float32),
        pltpu.VMEM((NJ, W), jnp.int32),
        pltpu.VMEM((NJ, W), jnp.int32),
        pltpu.VMEM((FEAT, NJ, W), jnp.float32),
        pltpu.SemaphoreType.DMA,
        pltpu.SemaphoreType.DMA,
        pltpu.SemaphoreType.DMA,
        pltpu.SemaphoreType.DMA,
    ],
    compiler_params=pltpu.CompilerParams(needs_layout_passes=False),
)


@jax.jit
def kernel(card_indices, table):
    idx_t = card_indices.T
    tcols = table.T
    a = _lookup(idx_t, tcols)
    return jnp.transpose(a, (2, 1, 0))

# --- scband reference (transcript-rebuilt; emitter-appended) ---
"""Pipeline reference for scband-card-model-33964601377118 (READ-ONLY COPY).

The authoritative reference and input builder live on the scoring server;
editing this copy changes nothing except your own understanding.
"""

import jax, jax.numpy as jnp
import numpy as np

def setup_inputs(seed: int = 0) -> dict:
    key = jax.random.key(seed)
    k1, k2 = jax.random.split(key)
    card_indices = jax.random.randint(k1, (16384, 50), 0, 52, dtype=jnp.int64 if jax.config.jax_enable_x64 else jnp.int32)
    table = jax.random.normal(k2, (52, 5), dtype=jnp.float32)
    return {"card_indices": card_indices, "table": table}

def reference(card_indices, table):
    # nn.Embedding lookup: gather rows of the table by index
    return jnp.take(table, card_indices, axis=0)

if __name__ == "__main__":
    import jax
    _d = setup_inputs()
    print(jax.jit(kernel)(*tuple(_d.values())))

</pallas_src>

<mosaic_0001>
#map = affine_map<(d0, d1) -> (0, 0)>
#map1 = affine_map<(d0, d1) -> (0, 0, 0)>
module attributes {stable_mosaic.version = 14 : i64} {
  func.func @_body(%arg0: i32, %arg1: i32, %arg2: memref<50x16384xi32, #tpu.memory_space<hbm>>, %arg3: memref<5x52xf32, #tpu.memory_space<hbm>>, %arg4: memref<5x50x16384xf32, #tpu.memory_space<hbm>>, %arg5: memref<5x52xf32, #tpu.memory_space<vmem>>, %arg6: memref<50x256xi32, #tpu.memory_space<vmem>>, %arg7: memref<50x256xi32, #tpu.memory_space<vmem>>, %arg8: memref<5x50x256xf32, #tpu.memory_space<vmem>>, %arg9: memref<!tpu.dma_semaphore, #tpu.memory_space<semaphore_mem>>, %arg10: memref<!tpu.dma_semaphore, #tpu.memory_space<semaphore_mem>>, %arg11: memref<!tpu.dma_semaphore, #tpu.memory_space<semaphore_mem>>, %arg12: memref<!tpu.dma_semaphore, #tpu.memory_space<semaphore_mem>>) attributes {dimension_semantics = [#tpu.dimension_semantics<core_parallel>, #tpu.dimension_semantics<subcore_parallel>], iteration_bounds = array<i64: 2, 16>, scalar_prefetch = 0 : i64, scratch_operands = 8 : i64, tpu.core_type = #tpu.core_type<sc_vector_subcore>, window_params = [{transform_indices = #map}, {transform_indices = #map}, {transform_indices = #map1}]} {
    %mul3A = arith.constant 16 : i32
    %mul3A_0 = arith.muli %arg0, %mul3A : i32
    %add3A = arith.addi %mul3A_0, %arg1 : i32
    %mul3A_1 = arith.constant 2 : i32
    %mul3A_2 = arith.muli %add3A, %mul3A_1 : i32
    %mul3A_3 = arith.constant 256 : i32
    %mul3A_4 = arith.muli %mul3A_2, %mul3A_3 : i32
    %add3A_5 = arith.constant 0 : i32
    %add3A_6 = arith.addi %mul3A_4, %add3A_5 : i32
    %dma_start3A = arith.constant 0 : i32
    %dma_start3A_7 = tpu.memref_slice %arg2[%dma_start3A, %add3A_6] : memref<50x16384xi32, #tpu.memory_space<hbm>> -> memref<50x256xi32, #tpu.memory_space<hbm>>
    %dma_start3A_8 = arith.constant 0 : i32
    %dma_start3A_9 = tpu.memref_slice %arg2[%dma_start3A_8, %add3A_6] : memref<50x16384xi32, #tpu.memory_space<hbm>> -> memref<50x256xi32, #tpu.memory_space<hbm>>
    tpu.enqueue_dma source(%dma_start3A_9 : memref<50x256xi32, #tpu.memory_space<hbm>>) target(%arg6 : memref<50x256xi32, #tpu.memory_space<vmem>>) target_semaphore(%arg9 : memref<!tpu.dma_semaphore, #tpu.memory_space<semaphore_mem>>)
    %add3A_10 = arith.constant 256 : i32
    %add3A_11 = arith.addi %mul3A_4, %add3A_10 : i32
    %dma_start3A_12 = arith.constant 0 : i32
    %dma_start3A_13 = tpu.memref_slice %arg2[%dma_start3A_12, %add3A_11] : memref<50x16384xi32, #tpu.memory_space<hbm>> -> memref<50x256xi32, #tpu.memory_space<hbm>>
    %dma_start3A_14 = arith.constant 0 : i32
    %dma_start3A_15 = tpu.memref_slice %arg2[%dma_start3A_14, %add3A_11] : memref<50x16384xi32, #tpu.memory_space<hbm>> -> memref<50x256xi32, #tpu.memory_space<hbm>>
    tpu.enqueue_dma source(%dma_start3A_15 : memref<50x256xi32, #tpu.memory_space<hbm>>) target(%arg7 : memref<50x256xi32, #tpu.memory_space<vmem>>) target_semaphore(%arg10 : memref<!tpu.dma_semaphore, #tpu.memory_space<semaphore_mem>>)
    "tpu.region"() ({
      %run_scoped3A = tpu.sem_alloc : memref<!tpu.dma_semaphore, #tpu.memory_space<semaphore_mem>>
      tpu.enqueue_dma source(%arg3 : memref<5x52xf32, #tpu.memory_space<hbm>>) target(%arg5 : memref<5x52xf32, #tpu.memory_space<vmem>>) target_semaphore(%run_scoped3A : memref<!tpu.dma_semaphore, #tpu.memory_space<semaphore_mem>>)
      tpu.wait_dma2 semaphore(%run_scoped3A : memref<!tpu.dma_semaphore, #tpu.memory_space<semaphore_mem>>) src(%arg3 : memref<5x52xf32, #tpu.memory_space<hbm>>) dst(%arg5 : memref<5x52xf32, #tpu.memory_space<vmem>>)
      tpu.yield
    }) : () -> ()
    %broadcast_in_dim3A = arith.constant 0 : i32
    %broadcast_in_dim3A_16 = vector.broadcast %broadcast_in_dim3A : i32 to vector<16xi32>
    %broadcast_in_dim3A_17 = arith.constant 1 : i32
    %broadcast_in_dim3A_18 = vector.broadcast %broadcast_in_dim3A_17 : i32 to vector<16xi32>
    %broadcast_in_dim3A_19 = arith.constant 2 : i32
    %broadcast_in_dim3A_20 = vector.broadcast %broadcast_in_dim3A_19 : i32 to vector<16xi32>
    %broadcast_in_dim3A_21 = arith.constant 3 : i32
    %broadcast_in_dim3A_22 = vector.broadcast %broadcast_in_dim3A_21 : i32 to vector<16xi32>
    %broadcast_in_dim3A_23 = arith.constant 4 : i32
    %broadcast_in_dim3A_24 = vector.broadcast %broadcast_in_dim3A_23 : i32 to vector<16xi32>
    %dma_wait3A = arith.constant 0 : i32
    %dma_wait3A_25 = tpu.memref_slice %arg2[%dma_wait3A, %add3A_6] : memref<50x16384xi32, #tpu.memory_space<hbm>> -> memref<50x256xi32, #tpu.memory_space<hbm>>
    %dma_wait3A_26 = arith.constant 0 : i32
    %dma_wait3A_27 = tpu.memref_slice %arg2[%dma_wait3A_26, %add3A_6] : memref<50x16384xi32, #tpu.memory_space<hbm>> -> memref<50x256xi32, #tpu.memory_space<hbm>>
    tpu.wait_dma2 semaphore(%arg9 : memref<!tpu.dma_semaphore, #tpu.memory_space<semaphore_mem>>) src(%dma_wait3A_27 : memref<50x256xi32, #tpu.memory_space<hbm>>) dst(%arg6 : memref<50x256xi32, #tpu.memory_space<vmem>>)
    %parallel_loop3A = arith.constant 0 : i32
    %parallel_loop3A_28 = arith.constant 384 : i32
    %parallel_loop3A_29 = arith.constant 1 : i32
    scf.for %parallel_loop3A_163 = %parallel_loop3A to %parallel_loop3A_28 step %parallel_loop3A_29  : i32 {
      %parallel_loop3A_164 = arith.constant 4 : i32
      %parallel_loop3A_165 = arith.shrsi %parallel_loop3A_163, %parallel_loop3A_164 : i32
      %parallel_loop3A_166 = arith.constant 15 : i32
      %parallel_loop3A_167 = arith.andi %parallel_loop3A_163, %parallel_loop3A_166 : i32
      %parallel_loop3A_168 = arith.constant 4 : i32
      %parallel_loop3A_169 = arith.shli %parallel_loop3A_167, %parallel_loop3A_168 : i32
      %parallel_loop3A_170 = arith.index_cast %parallel_loop3A_165 : i32 to index
      %parallel_loop3A_171 = arith.index_cast %parallel_loop3A_169 : i32 to index
      %parallel_loop3A_172 = tpu.vector_load %arg6[%parallel_loop3A_170, %parallel_loop3A_171] {strides = array<i32>} : memref<50x256xi32, #tpu.memory_space<vmem>>, vector<16xi32>,
      %parallel_loop3A_173 = tpu.vector_load_idx %arg5[%broadcast_in_dim3A_16, %parallel_loop3A_172] : memref<5x52xf32, #tpu.memory_space<vmem>>[vector<16xi32>, vector<16xi32>], vector<16xf32>,
      %parallel_loop3A_174 = arith.constant 0 : i32
      %parallel_loop3A_175 = arith.index_cast %parallel_loop3A_174 : i32 to index
      %parallel_loop3A_176 = arith.index_cast %parallel_loop3A_165 : i32 to index
      %parallel_loop3A_177 = arith.index_cast %parallel_loop3A_169 : i32 to index
      %parallel_loop3A_178 = tpu.vector_load %arg8[%parallel_loop3A_175, %parallel_loop3A_176, %parallel_loop3A_177] {strides = array<i32>} : memref<5x50x256xf32, #tpu.memory_space<vmem>>, vector<16xf32>,
      tpu.vector_store %arg8[%parallel_loop3A_175, %parallel_loop3A_176, %parallel_loop3A_177], %parallel_loop3A_173 {strides = array<i32>} : memref<5x50x256xf32, #tpu.memory_space<vmem>>, vector<16xf32>,
      %parallel_loop3A_179 = tpu.vector_load_idx %arg5[%broadcast_in_dim3A_18, %parallel_loop3A_172] : memref<5x52xf32, #tpu.memory_space<vmem>>[vector<16xi32>, vector<16xi32>], vector<16xf32>,
      %parallel_loop3A_180 = arith.constant 1 : i32
      %parallel_loop3A_181 = arith.index_cast %parallel_loop3A_180 : i32 to index
      %parallel_loop3A_182 = arith.index_cast %parallel_loop3A_165 : i32 to index
      %parallel_loop3A_183 = arith.index_cast %parallel_loop3A_169 : i32 to index
      %parallel_loop3A_184 = tpu.vector_load %arg8[%parallel_loop3A_181, %parallel_loop3A_182, %parallel_loop3A_183] {strides = array<i32>} : memref<5x50x256xf32, #tpu.memory_space<vmem>>, vector<16xf32>,
      tpu.vector_store %arg8[%parallel_loop3A_181, %parallel_loop3A_182, %parallel_loop3A_183], %parallel_loop3A_179 {strides = array<i32>} : memref<5x50x256xf32, #tpu.memory_space<vmem>>, vector<16xf32>,
      %parallel_loop3A_185 = tpu.vector_load_idx %arg5[%broadcast_in_dim3A_20, %parallel_loop3A_172] : memref<5x52xf32, #tpu.memory_space<vmem>>[vector<16xi32>, vector<16xi32>], vector<16xf32>,
      %parallel_loop3A_186 = arith.constant 2 : i32
      %parallel_loop3A_187 = arith.index_cast %parallel_loop3A_186 : i32 to index
      %parallel_loop3A_188 = arith.index_cast %parallel_loop3A_165 : i32 to index
      %parallel_loop3A_189 = arith.index_cast %parallel_loop3A_169 : i32 to index
      %parallel_loop3A_190 = tpu.vector_load %arg8[%parallel_loop3A_187, %parallel_loop3A_188, %parallel_loop3A_189] {strides = array<i32>} : memref<5x50x256xf32, #tpu.memory_space<vmem>>, vector<16xf32>,
      tpu.vector_store %arg8[%parallel_loop3A_187, %parallel_loop3A_188, %parallel_loop3A_189], %parallel_loop3A_185 {strides = array<i32>} : memref<5x50x256xf32, #tpu.memory_space<vmem>>, vector<16xf32>,
      %parallel_loop3A_191 = tpu.vector_load_idx %arg5[%broadcast_in_dim3A_22, %parallel_loop3A_172] : memref<5x52xf32, #tpu.memory_space<vmem>>[vector<16xi32>, vector<16xi32>], vector<16xf32>,
      %parallel_loop3A_192 = arith.constant 3 : i32
      %parallel_loop3A_193 = arith.index_cast %parallel_loop3A_192 : i32 to index
      %parallel_loop3A_194 = arith.index_cast %parallel_loop3A_165 : i32 to index
      %parallel_loop3A_195 = arith.index_cast %parallel_loop3A_169 : i32 to index
      %parallel_loop3A_196 = tpu.vector_load %arg8[%parallel_loop3A_193, %parallel_loop3A_194, %parallel_loop3A_195] {strides = array<i32>} : memref<5x50x256xf32, #tpu.memory_space<vmem>>, vector<16xf32>,
      tpu.vector_store %arg8[%parallel_loop3A_193, %parallel_loop3A_194, %parallel_loop3A_195], %parallel_loop3A_191 {strides = array<i32>} : memref<5x50x256xf32, #tpu.memory_space<vmem>>, vector<16xf32>,
      %parallel_loop3A_197 = tpu.vector_load_idx %arg5[%broadcast_in_dim3A_24, %parallel_loop3A_172] : memref<5x52xf32, #tpu.memory_space<vmem>>[vector<16xi32>, vector<16xi32>], vector<16xf32>,
      %parallel_loop3A_198 = arith.constant 4 : i32
      %parallel_loop3A_199 = arith.index_cast %parallel_loop3A_198 : i32 to index
      %parallel_loop3A_200 = arith.index_cast %parallel_loop3A_165 : i32 to index
      %parallel_loop3A_201 = arith.index_cast %parallel_loop3A_169 : i32 to index
      %parallel_loop3A_202 = tpu.vector_load %arg8[%parallel_loop3A_199, %parallel_loop3A_200, %parallel_loop3A_201] {strides = array<i32>} : memref<5x50x256xf32, #tpu.memory_space<vmem>>, vector<16xf32>,
      tpu.vector_store %arg8[%parallel_loop3A_199, %parallel_loop3A_200, %parallel_loop3A_201], %parallel_loop3A_197 {strides = array<i32>} : memref<5x50x256xf32, #tpu.memory_space<vmem>>, vector<16xf32>,
    } {sc.loop_unroll_factor = 8 : i64, sc.parallel_access}
    %add3A_30 = arith.constant 0 : i32
    %add3A_31 = arith.addi %mul3A_4, %add3A_30 : i32
    %dma_start3A_32 = arith.constant 0 : i32
    %dma_start3A_33 = arith.constant 0 : i32
    %dma_start3A_34 = arith.constant 0 : i32
    %dma_start3A_35 = tpu.memref_slice %arg8[%dma_start3A_32, %dma_start3A_33, %dma_start3A_34] : memref<5x50x256xf32, #tpu.memory_space<vmem>> -> memref<5x24x256xf32, #tpu.memory_space<vmem>>
    %dma_start3A_36 = arith.constant 0 : i32
    %dma_start3A_37 = arith.constant 0 : i32
    %dma_start3A_38 = tpu.memref_slice %arg4[%dma_start3A_36, %dma_start3A_37, %add3A_31] : memref<5x50x16384xf32, #tpu.memory_space<hbm>> -> memref<5x24x256xf32, #tpu.memory_space<hbm>>
    %dma_start3A_39 = arith.constant 0 : i32
    %dma_start3A_40 = arith.constant 0 : i32
    %dma_start3A_41 = tpu.memref_slice %arg4[%dma_start3A_39, %dma_start3A_40, %add3A_31] : memref<5x50x16384xf32, #tpu.memory_space<hbm>> -> memref<5x24x256xf32, #tpu.memory_space<hbm>>
    %dma_start3A_42 = arith.constant 0 : i32
    %dma_start3A_43 = arith.constant 0 : i32
    %dma_start3A_44 = arith.constant 0 : i32
    %dma_start3A_45 = tpu.memref_slice %arg8[%dma_start3A_42, %dma_start3A_43, %dma_start3A_44] : memref<5x50x256xf32, #tpu.memory_space<vmem>> -> memref<5x24x256xf32, #tpu.memory_space<vmem>>
    tpu.enqueue_dma source(%dma_start3A_45 : memref<5x24x256xf32, #tpu.memory_space<vmem>>) target(%dma_start3A_41 : memref<5x24x256xf32, #tpu.memory_space<hbm>>) target_semaphore(%arg11 : memref<!tpu.dma_semaphore, #tpu.memory_space<semaphore_mem>>)
    %parallel_loop3A_46 = arith.constant 384 : i32
    %parallel_loop3A_47 = arith.constant 800 : i32
    %parallel_loop3A_48 = arith.constant 1 : i32
    scf.for %parallel_loop3A_163 = %parallel_loop3A_46 to %parallel_loop3A_47 step %parallel_loop3A_48  : i32 {
      %parallel_loop3A_164 = arith.constant 4 : i32
      %parallel_loop3A_165 = arith.shrsi %parallel_loop3A_163, %parallel_loop3A_164 : i32
      %parallel_loop3A_166 = arith.constant 15 : i32
      %parallel_loop3A_167 = arith.andi %parallel_loop3A_163, %parallel_loop3A_166 : i32
      %parallel_loop3A_168 = arith.constant 4 : i32
      %parallel_loop3A_169 = arith.shli %parallel_loop3A_167, %parallel_loop3A_168 : i32
      %parallel_loop3A_170 = arith.index_cast %parallel_loop3A_165 : i32 to index
      %parallel_loop3A_171 = arith.index_cast %parallel_loop3A_169 : i32 to index
      %parallel_loop3A_172 = tpu.vector_load %arg6[%parallel_loop3A_170, %parallel_loop3A_171] {strides = array<i32>} : memref<50x256xi32, #tpu.memory_space<vmem>>, vector<16xi32>,
      %parallel_loop3A_173 = tpu.vector_load_idx %arg5[%broadcast_in_dim3A_16, %parallel_loop3A_172] : memref<5x52xf32, #tpu.memory_space<vmem>>[vector<16xi32>, vector<16xi32>], vector<16xf32>,
      %parallel_loop3A_174 = arith.constant 0 : i32
      %parallel_loop3A_175 = arith.index_cast %parallel_loop3A_174 : i32 to index
      %parallel_loop3A_176 = arith.index_cast %parallel_loop3A_165 : i32 to index
      %parallel_loop3A_177 = arith.index_cast %parallel_loop3A_169 : i32 to index
      %parallel_loop3A_178 = tpu.vector_load %arg8[%parallel_loop3A_175, %parallel_loop3A_176, %parallel_loop3A_177] {strides = array<i32>} : memref<5x50x256xf32, #tpu.memory_space<vmem>>, vector<16xf32>,
      tpu.vector_store %arg8[%parallel_loop3A_175, %parallel_loop3A_176, %parallel_loop3A_177], %parallel_loop3A_173 {strides = array<i32>} : memref<5x50x256xf32, #tpu.memory_space<vmem>>, vector<16xf32>,
      %parallel_loop3A_179 = tpu.vector_load_idx %arg5[%broadcast_in_dim3A_18, %parallel_loop3A_172] : memref<5x52xf32, #tpu.memory_space<vmem>>[vector<16xi32>, vector<16xi32>], vector<16xf32>,
      %parallel_loop3A_180 = arith.constant 1 : i32
      %parallel_loop3A_181 = arith.index_cast %parallel_loop3A_180 : i32 to index
      %parallel_loop3A_182 = arith.index_cast %parallel_loop3A_165 : i32 to index
      %parallel_loop3A_183 = arith.index_cast %parallel_loop3A_169 : i32 to index
      %parallel_loop3A_184 = tpu.vector_load %arg8[%parallel_loop3A_181, %parallel_loop3A_182, %parallel_loop3A_183] {strides = array<i32>} : memref<5x50x256xf32, #tpu.memory_space<vmem>>, vector<16xf32>,
      tpu.vector_store %arg8[%parallel_loop3A_181, %parallel_loop3A_182, %parallel_loop3A_183], %parallel_loop3A_179 {strides = array<i32>} : memref<5x50x256xf32, #tpu.memory_space<vmem>>, vector<16xf32>,
      %parallel_loop3A_185 = tpu.vector_load_idx %arg5[%broadcast_in_dim3A_20, %parallel_loop3A_172] : memref<5x52xf32, #tpu.memory_space<vmem>>[vector<16xi32>, vector<16xi32>], vector<16xf32>,
      %parallel_loop3A_186 = arith.constant 2 : i32
      %parallel_loop3A_187 = arith.index_cast %parallel_loop3A_186 : i32 to index
      %parallel_loop3A_188 = arith.index_cast %parallel_loop3A_165 : i32 to index
      %parallel_loop3A_189 = arith.index_cast %parallel_loop3A_169 : i32 to index
      %parallel_loop3A_190 = tpu.vector_load %arg8[%parallel_loop3A_187, %parallel_loop3A_188, %parallel_loop3A_189] {strides = array<i32>} : memref<5x50x256xf32, #tpu.memory_space<vmem>>, vector<16xf32>,
      tpu.vector_store %arg8[%parallel_loop3A_187, %parallel_loop3A_188, %parallel_loop3A_189], %parallel_loop3A_185 {strides = array<i32>} : memref<5x50x256xf32, #tpu.memory_space<vmem>>, vector<16xf32>,
      %parallel_loop3A_191 = tpu.vector_load_idx %arg5[%broadcast_in_dim3A_22, %parallel_loop3A_172] : memref<5x52xf32, #tpu.memory_space<vmem>>[vector<16xi32>, vector<16xi32>], vector<16xf32>,
      %parallel_loop3A_192 = arith.constant 3 : i32
      %parallel_loop3A_193 = arith.index_cast %parallel_loop3A_192 : i32 to index
      %parallel_loop3A_194 = arith.index_cast %parallel_loop3A_165 : i32 to index
      %parallel_loop3A_195 = arith.index_cast %parallel_loop3A_169 : i32 to index
      %parallel_loop3A_196 = tpu.vector_load %arg8[%parallel_loop3A_193, %parallel_loop3A_194, %parallel_loop3A_195] {strides = array<i32>} : memref<5x50x256xf32, #tpu.memory_space<vmem>>, vector<16xf32>,
      tpu.vector_store %arg8[%parallel_loop3A_193, %parallel_loop3A_194, %parallel_loop3A_195], %parallel_loop3A_191 {strides = array<i32>} : memref<5x50x256xf32, #tpu.memory_space<vmem>>, vector<16xf32>,
      %parallel_loop3A_197 = tpu.vector_load_idx %arg5[%broadcast_in_dim3A_24, %parallel_loop3A_172] : memref<5x52xf32, #tpu.memory_space<vmem>>[vector<16xi32>, vector<16xi32>], vector<16xf32>,
      %parallel_loop3A_198 = arith.constant 4 : i32
      %parallel_loop3A_199 = arith.index_cast %parallel_loop3A_198 : i32 to index
      %parallel_loop3A_200 = arith.index_cast %parallel_loop3A_165 : i32 to index
      %parallel_loop3A_201 = arith.index_cast %parallel_loop3A_169 : i32 to index
      %parallel_loop3A_202 = tpu.vector_load %arg8[%parallel_loop3A_199, %parallel_loop3A_200, %parallel_loop3A_201] {strides = array<i32>} : memref<5x50x256xf32, #tpu.memory_space<vmem>>, vector<16xf32>,
      tpu.vector_store %arg8[%parallel_loop3A_199, %parallel_loop3A_200, %parallel_loop3A_201], %parallel_loop3A_197 {strides = array<i32>} : memref<5x50x256xf32, #tpu.memory_space<vmem>>, vector<16xf32>,
    } {sc.loop_unroll_factor = 8 : i64, sc.parallel_access}
    %add3A_49 = arith.constant 0 : i32
    %add3A_50 = arith.addi %mul3A_4, %add3A_49 : i32
    %dma_start3A_51 = arith.constant 0 : i32
    %dma_start3A_52 = arith.constant 24 : i32
    %dma_start3A_53 = arith.constant 0 : i32
    %dma_start3A_54 = tpu.memref_slice %arg8[%dma_start3A_51, %dma_start3A_52, %dma_start3A_53] : memref<5x50x256xf32, #tpu.memory_space<vmem>> -> memref<5x26x256xf32, #tpu.memory_space<vmem>>
    %dma_start3A_55 = arith.constant 0 : i32
    %dma_start3A_56 = arith.constant 24 : i32
    %dma_start3A_57 = tpu.memref_slice %arg4[%dma_start3A_55, %dma_start3A_56, %add3A_50] : memref<5x50x16384xf32, #tpu.memory_space<hbm>> -> memref<5x26x256xf32, #tpu.memory_space<hbm>>
    %dma_start3A_58 = arith.constant 0 : i32
    %dma_start3A_59 = arith.constant 24 : i32
    %dma_start3A_60 = tpu.memref_slice %arg4[%dma_start3A_58, %dma_start3A_59, %add3A_50] : memref<5x50x16384xf32, #tpu.memory_space<hbm>> -> memref<5x26x256xf32, #tpu.memory_space<hbm>>
    %dma_start3A_61 = arith.constant 0 : i32
    %dma_start3A_62 = arith.constant 24 : i32
    %dma_start3A_63 = arith.constant 0 : i32
    %dma_start3A_64 = tpu.memref_slice %arg8[%dma_start3A_61, %dma_start3A_62, %dma_start3A_63] : memref<5x50x256xf32, #tpu.memory_space<vmem>> -> memref<5x26x256xf32, #tpu.memory_space<vmem>>
    tpu.enqueue_dma source(%dma_start3A_64 : memref<5x26x256xf32, #tpu.memory_space<vmem>>) target(%dma_start3A_60 : memref<5x26x256xf32, #tpu.memory_space<hbm>>) target_semaphore(%arg12 : memref<!tpu.dma_semaphore, #tpu.memory_space<semaphore_mem>>)
    %dma_wait3A_65 = arith.constant 0 : i32
    %dma_wait3A_66 = tpu.memref_slice %arg2[%dma_wait3A_65, %add3A_11] : memref<50x16384xi32, #tpu.memory_space<hbm>> -> memref<50x256xi32, #tpu.memory_space<hbm>>
    %dma_wait3A_67 = arith.constant 0 : i32
    %dma_wait3A_68 = tpu.memref_slice %arg2[%dma_wait3A_67, %add3A_11] : memref<50x16384xi32, #tpu.memory_space<hbm>> -> memref<50x256xi32, #tpu.memory_space<hbm>>
    tpu.wait_dma2 semaphore(%arg10 : memref<!tpu.dma_semaphore, #tpu.memory_space<semaphore_mem>>) src(%dma_wait3A_68 : memref<50x256xi32, #tpu.memory_space<hbm>>) dst(%arg7 : memref<50x256xi32, #tpu.memory_space<vmem>>)
    %dma_wait3A_69 = arith.constant 0 : i32
    %dma_wait3A_70 = arith.constant 0 : i32
    %dma_wait3A_71 = arith.constant 0 : i32
    %dma_wait3A_72 = tpu.memref_slice %arg8[%dma_wait3A_69, %dma_wait3A_70, %dma_wait3A_71] : memref<5x50x256xf32, #tpu.memory_space<vmem>> -> memref<5x24x256xf32, #tpu.memory_space<vmem>>
    %dma_wait3A_73 = arith.constant 0 : i32
    %dma_wait3A_74 = arith.constant 0 : i32
    %dma_wait3A_75 = tpu.memref_slice %arg4[%dma_wait3A_73, %dma_wait3A_74, %add3A_31] : memref<5x50x16384xf32, #tpu.memory_space<hbm>> -> memref<5x24x256xf32, #tpu.memory_space<hbm>>
    %dma_wait3A_76 = arith.constant 0 : i32
    %dma_wait3A_77 = arith.constant 0 : i32
    %dma_wait3A_78 = tpu.memref_slice %arg4[%dma_wait3A_76, %dma_wait3A_77, %add3A_31] : memref<5x50x16384xf32, #tpu.memory_space<hbm>> -> memref<5x24x256xf32, #tpu.memory_space<hbm>>
    %dma_wait3A_79 = arith.constant 0 : i32
    %dma_wait3A_80 = arith.constant 0 : i32
    %dma_wait3A_81 = arith.constant 0 : i32
    %dma_wait3A_82 = tpu.memref_slice %arg8[%dma_wait3A_79, %dma_wait3A_80, %dma_wait3A_81] : memref<5x50x256xf32, #tpu.memory_space<vmem>> -> memref<5x24x256xf32, #tpu.memory_space<vmem>>
    tpu.wait_dma2 semaphore(%arg11 : memref<!tpu.dma_semaphore, #tpu.memory_space<semaphore_mem>>) src(%dma_wait3A_82 : memref<5x24x256xf32, #tpu.memory_space<vmem>>) dst(%dma_wait3A_78 : memref<5x24x256xf32, #tpu.memory_space<hbm>>)
    %parallel_loop3A_83 = arith.constant 0 : i32
    %parallel_loop3A_84 = arith.constant 384 : i32
    %parallel_loop3A_85 = arith.constant 1 : i32
    scf.for %parallel_loop3A_163 = %parallel_loop3A_83 to %parallel_loop3A_84 step %parallel_loop3A_85  : i32 {
      %parallel_loop3A_164 = arith.constant 4 : i32
      %parallel_loop3A_165 = arith.shrsi %parallel_loop3A_163, %parallel_loop3A_164 : i32
      %parallel_loop3A_166 = arith.constant 15 : i32
      %parallel_loop3A_167 = arith.andi %parallel_loop3A_163, %parallel_loop3A_166 : i32
      %parallel_loop3A_168 = arith.constant 4 : i32
      %parallel_loop3A_169 = arith.shli %parallel_loop3A_167, %parallel_loop3A_168 : i32
      %parallel_loop3A_170 = arith.index_cast %parallel_loop3A_165 : i32 to index
      %parallel_loop3A_171 = arith.index_cast %parallel_loop3A_169 : i32 to index
      %parallel_loop3A_172 = tpu.vector_load %arg7[%parallel_loop3A_170, %parallel_loop3A_171] {strides = array<i32>} : memref<50x256xi32, #tpu.memory_space<vmem>>, vector<16xi32>,
      %parallel_loop3A_173 = tpu.vector_load_idx %arg5[%broadcast_in_dim3A_16, %parallel_loop3A_172] : memref<5x52xf32, #tpu.memory_space<vmem>>[vector<16xi32>, vector<16xi32>], vector<16xf32>,
      %parallel_loop3A_174 = arith.constant 0 : i32
      %parallel_loop3A_175 = arith.index_cast %parallel_loop3A_174 : i32 to index
      %parallel_loop3A_176 = arith.index_cast %parallel_loop3A_165 : i32 to index
      %parallel_loop3A_177 = arith.index_cast %parallel_loop3A_169 : i32 to index
      %parallel_loop3A_178 = tpu.vector_load %arg8[%parallel_loop3A_175, %parallel_loop3A_176, %parallel_loop3A_177] {strides = array<i32>} : memref<5x50x256xf32, #tpu.memory_space<vmem>>, vector<16xf32>,
      tpu.vector_store %arg8[%parallel_loop3A_175, %parallel_loop3A_176, %parallel_loop3A_177], %parallel_loop3A_173 {strides = array<i32>} : memref<5x50x256xf32, #tpu.memory_space<vmem>>, vector<16xf32>,
      %parallel_loop3A_179 = tpu.vector_load_idx %arg5[%broadcast_in_dim3A_18, %parallel_loop3A_172] : memref<5x52xf32, #tpu.memory_space<vmem>>[vector<16xi32>, vector<16xi32>], vector<16xf32>,
      %parallel_loop3A_180 = arith.constant 1 : i32
      %parallel_loop3A_181 = arith.index_cast %parallel_loop3A_180 : i32 to index
      %parallel_loop3A_182 = arith.index_cast %parallel_loop3A_165 : i32 to index
      %parallel_loop3A_183 = arith.index_cast %parallel_loop3A_169 : i32 to index
      %parallel_loop3A_184 = tpu.vector_load %arg8[%parallel_loop3A_181, %parallel_loop3A_182, %parallel_loop3A_183] {strides = array<i32>} : memref<5x50x256xf32, #tpu.memory_space<vmem>>, vector<16xf32>,
      tpu.vector_store %arg8[%parallel_loop3A_181, %parallel_loop3A_182, %parallel_loop3A_183], %parallel_loop3A_179 {strides = array<i32>} : memref<5x50x256xf32, #tpu.memory_space<vmem>>, vector<16xf32>,
      %parallel_loop3A_185 = tpu.vector_load_idx %arg5[%broadcast_in_dim3A_20, %parallel_loop3A_172] : memref<5x52xf32, #tpu.memory_space<vmem>>[vector<16xi32>, vector<16xi32>], vector<16xf32>,
      %parallel_loop3A_186 = arith.constant 2 : i32
      %parallel_loop3A_187 = arith.index_cast %parallel_loop3A_186 : i32 to index
      %parallel_loop3A_188 = arith.index_cast %parallel_loop3A_165 : i32 to index
      %parallel_loop3A_189 = arith.index_cast %parallel_loop3A_169 : i32 to index
      %parallel_loop3A_190 = tpu.vector_load %arg8[%parallel_loop3A_187, %parallel_loop3A_188, %parallel_loop3A_189] {strides = array<i32>} : memref<5x50x256xf32, #tpu.memory_space<vmem>>, vector<16xf32>,
      tpu.vector_store %arg8[%parallel_loop3A_187, %parallel_loop3A_188, %parallel_loop3A_189], %parallel_loop3A_185 {strides = array<i32>} : memref<5x50x256xf32, #tpu.memory_space<vmem>>, vector<16xf32>,
      %parallel_loop3A_191 = tpu.vector_load_idx %arg5[%broadcast_in_dim3A_22, %parallel_loop3A_172] : memref<5x52xf32, #tpu.memory_space<vmem>>[vector<16xi32>, vector<16xi32>], vector<16xf32>,
      %parallel_loop3A_192 = arith.constant 3 : i32
      %parallel_loop3A_193 = arith.index_cast %parallel_loop3A_192 : i32 to index
      %parallel_loop3A_194 = arith.index_cast %parallel_loop3A_165 : i32 to index
      %parallel_loop3A_195 = arith.index_cast %parallel_loop3A_169 : i32 to index
      %parallel_loop3A_196 = tpu.vector_load %arg8[%parallel_loop3A_193, %parallel_loop3A_194, %parallel_loop3A_195] {strides = array<i32>} : memref<5x50x256xf32, #tpu.memory_space<vmem>>, vector<16xf32>,
      tpu.vector_store %arg8[%parallel_loop3A_193, %parallel_loop3A_194, %parallel_loop3A_195], %parallel_loop3A_191 {strides = array<i32>} : memref<5x50x256xf32, #tpu.memory_space<vmem>>, vector<16xf32>,
      %parallel_loop3A_197 = tpu.vector_load_idx %arg5[%broadcast_in_dim3A_24, %parallel_loop3A_172] : memref<5x52xf32, #tpu.memory_space<vmem>>[vector<16xi32>, vector<16xi32>], vector<16xf32>,
      %parallel_loop3A_198 = arith.constant 4 : i32
      %parallel_loop3A_199 = arith.index_cast %parallel_loop3A_198 : i32 to index
      %parallel_loop3A_200 = arith.index_cast %parallel_loop3A_165 : i32 to index
      %parallel_loop3A_201 = arith.index_cast %parallel_loop3A_169 : i32 to index
      %parallel_loop3A_202 = tpu.vector_load %arg8[%parallel_loop3A_199, %parallel_loop3A_200, %parallel_loop3A_201] {strides = array<i32>} : memref<5x50x256xf32, #tpu.memory_space<vmem>>, vector<16xf32>,
      tpu.vector_store %arg8[%parallel_loop3A_199, %parallel_loop3A_200, %parallel_loop3A_201], %parallel_loop3A_197 {strides = array<i32>} : memref<5x50x256xf32, #tpu.memory_space<vmem>>, vector<16xf32>,
    } {sc.loop_unroll_factor = 8 : i64, sc.parallel_access}
    %add3A_86 = arith.constant 256 : i32
    %add3A_87 = arith.addi %mul3A_4, %add3A_86 : i32
    %dma_start3A_88 = arith.constant 0 : i32
    %dma_start3A_89 = arith.constant 0 : i32
    %dma_start3A_90 = arith.constant 0 : i32
    %dma_start3A_91 = tpu.memref_slice %arg8[%dma_start3A_88, %dma_start3A_89, %dma_start3A_90] : memref<5x50x256xf32, #tpu.memory_space<vmem>> -> memref<5x24x256xf32, #tpu.memory_space<vmem>>
    %dma_start3A_92 = arith.constant 0 : i32
    %dma_start3A_93 = arith.constant 0 : i32
    %dma_start3A_94 = tpu.memref_slice %arg4[%dma_start3A_92, %dma_start3A_93, %add3A_87] : memref<5x50x16384xf32, #tpu.memory_space<hbm>> -> memref<5x24x256xf32, #tpu.memory_space<hbm>>
    %dma_start3A_95 = arith.constant 0 : i32
    %dma_start3A_96 = arith.constant 0 : i32
    %dma_start3A_97 = tpu.memref_slice %arg4[%dma_start3A_95, %dma_start3A_96, %add3A_87] : memref<5x50x16384xf32, #tpu.memory_space<hbm>> -> memref<5x24x256xf32, #tpu.memory_space<hbm>>
    %dma_start3A_98 = arith.constant 0 : i32
    %dma_start3A_99 = arith.constant 0 : i32
    %dma_start3A_100 = arith.constant 0 : i32
    %dma_start3A_101 = tpu.memref_slice %arg8[%dma_start3A_98, %dma_start3A_99, %dma_start3A_100] : memref<5x50x256xf32, #tpu.memory_space<vmem>> -> memref<5x24x256xf32, #tpu.memory_space<vmem>>
    tpu.enqueue_dma source(%dma_start3A_101 : memref<5x24x256xf32, #tpu.memory_space<vmem>>) target(%dma_start3A_97 : memref<5x24x256xf32, #tpu.memory_space<hbm>>) target_semaphore(%arg11 : memref<!tpu.dma_semaphore, #tpu.memory_space<semaphore_mem>>)
    %dma_wait3A_102 = arith.constant 0 : i32
    %dma_wait3A_103 = arith.constant 24 : i32
    %dma_wait3A_104 = arith.constant 0 : i32
    %dma_wait3A_105 = tpu.memref_slice %arg8[%dma_wait3A_102, %dma_wait3A_103, %dma_wait3A_104] : memref<5x50x256xf32, #tpu.memory_space<vmem>> -> memref<5x26x256xf32, #tpu.memory_space<vmem>>
    %dma_wait3A_106 = arith.constant 0 : i32
    %dma_wait3A_107 = arith.constant 24 : i32
    %dma_wait3A_108 = tpu.memref_slice %arg4[%dma_wait3A_106, %dma_wait3A_107, %add3A_50] : memref<5x50x16384xf32, #tpu.memory_space<hbm>> -> memref<5x26x256xf32, #tpu.memory_space<hbm>>
    %dma_wait3A_109 = arith.constant 0 : i32
    %dma_wait3A_110 = arith.constant 24 : i32
    %dma_wait3A_111 = tpu.memref_slice %arg4[%dma_wait3A_109, %dma_wait3A_110, %add3A_50] : memref<5x50x16384xf32, #tpu.memory_space<hbm>> -> memref<5x26x256xf32, #tpu.memory_space<hbm>>
    %dma_wait3A_112 = arith.constant 0 : i32
    %dma_wait3A_113 = arith.constant 24 : i32
    %dma_wait3A_114 = arith.constant 0 : i32
    %dma_wait3A_115 = tpu.memref_slice %arg8[%dma_wait3A_112, %dma_wait3A_113, %dma_wait3A_114] : memref<5x50x256xf32, #tpu.memory_space<vmem>> -> memref<5x26x256xf32, #tpu.memory_space<vmem>>
    tpu.wait_dma2 semaphore(%arg12 : memref<!tpu.dma_semaphore, #tpu.memory_space<semaphore_mem>>) src(%dma_wait3A_115 : memref<5x26x256xf32, #tpu.memory_space<vmem>>) dst(%dma_wait3A_111 : memref<5x26x256xf32, #tpu.memory_space<hbm>>)
    %parallel_loop3A_116 = arith.constant 384 : i32
    %parallel_loop3A_117 = arith.constant 800 : i32
    %parallel_loop3A_118 = arith.constant 1 : i32
    scf.for %parallel_loop3A_163 = %parallel_loop3A_116 to %parallel_loop3A_117 step %parallel_loop3A_118  : i32 {
      %parallel_loop3A_164 = arith.constant 4 : i32
      %parallel_loop3A_165 = arith.shrsi %parallel_loop3A_163, %parallel_loop3A_164 : i32
      %parallel_loop3A_166 = arith.constant 15 : i32
      %parallel_loop3A_167 = arith.andi %parallel_loop3A_163, %parallel_loop3A_166 : i32
      %parallel_loop3A_168 = arith.constant 4 : i32
      %parallel_loop3A_169 = arith.shli %parallel_loop3A_167, %parallel_loop3A_168 : i32
      %parallel_loop3A_170 = arith.index_cast %parallel_loop3A_165 : i32 to index
      %parallel_loop3A_171 = arith.index_cast %parallel_loop3A_169 : i32 to index
      %parallel_loop3A_172 = tpu.vector_load %arg7[%parallel_loop3A_170, %parallel_loop3A_171] {strides = array<i32>} : memref<50x256xi32, #tpu.memory_space<vmem>>, vector<16xi32>,
      %parallel_loop3A_173 = tpu.vector_load_idx %arg5[%broadcast_in_dim3A_16, %parallel_loop3A_172] : memref<5x52xf32, #tpu.memory_space<vmem>>[vector<16xi32>, vector<16xi32>], vector<16xf32>,
      %parallel_loop3A_174 = arith.constant 0 : i32
      %parallel_loop3A_175 = arith.index_cast %parallel_loop3A_174 : i32 to index
      %parallel_loop3A_176 = arith.index_cast %parallel_loop3A_165 : i32 to index
      %parallel_loop3A_177 = arith.index_cast %parallel_loop3A_169 : i32 to index
      %parallel_loop3A_178 = tpu.vector_load %arg8[%parallel_loop3A_175, %parallel_loop3A_176, %parallel_loop3A_177] {strides = array<i32>} : memref<5x50x256xf32, #tpu.memory_space<vmem>>, vector<16xf32>,
      tpu.vector_store %arg8[%parallel_loop3A_175, %parallel_loop3A_176, %parallel_loop3A_177], %parallel_loop3A_173 {strides = array<i32>} : memref<5x50x256xf32, #tpu.memory_space<vmem>>, vector<16xf32>,
      %parallel_loop3A_179 = tpu.vector_load_idx %arg5[%broadcast_in_dim3A_18, %parallel_loop3A_172] : memref<5x52xf32, #tpu.memory_space<vmem>>[vector<16xi32>, vector<16xi32>], vector<16xf32>,
      %parallel_loop3A_180 = arith.constant 1 : i32
      %parallel_loop3A_181 = arith.index_cast %parallel_loop3A_180 : i32 to index
      %parallel_loop3A_182 = arith.index_cast %parallel_loop3A_165 : i32 to index
      %parallel_loop3A_183 = arith.index_cast %parallel_loop3A_169 : i32 to index
      %parallel_loop3A_184 = tpu.vector_load %arg8[%parallel_loop3A_181, %parallel_loop3A_182, %parallel_loop3A_183] {strides = array<i32>} : memref<5x50x256xf32, #tpu.memory_space<vmem>>, vector<16xf32>,
      tpu.vector_store %arg8[%parallel_loop3A_181, %parallel_loop3A_182, %parallel_loop3A_183], %parallel_loop3A_179 {strides = array<i32>} : memref<5x50x256xf32, #tpu.memory_space<vmem>>, vector<16xf32>,
      %parallel_loop3A_185 = tpu.vector_load_idx %arg5[%broadcast_in_dim3A_20, %parallel_loop3A_172] : memref<5x52xf32, #tpu.memory_space<vmem>>[vector<16xi32>, vector<16xi32>], vector<16xf32>,
      %parallel_loop3A_186 = arith.constant 2 : i32
      %parallel_loop3A_187 = arith.index_cast %parallel_loop3A_186 : i32 to index
      %parallel_loop3A_188 = arith.index_cast %parallel_loop3A_165 : i32 to index
      %parallel_loop3A_189 = arith.index_cast %parallel_loop3A_169 : i32 to index
      %parallel_loop3A_190 = tpu.vector_load %arg8[%parallel_loop3A_187, %parallel_loop3A_188, %parallel_loop3A_189] {strides = array<i32>} : memref<5x50x256xf32, #tpu.memory_space<vmem>>, vector<16xf32>,
      tpu.vector_store %arg8[%parallel_loop3A_187, %parallel_loop3A_188, %parallel_loop3A_189], %parallel_loop3A_185 {strides = array<i32>} : memref<5x50x256xf32, #tpu.memory_space<vmem>>, vector<16xf32>,
      %parallel_loop3A_191 = tpu.vector_load_idx %arg5[%broadcast_in_dim3A_22, %parallel_loop3A_172] : memref<5x52xf32, #tpu.memory_space<vmem>>[vector<16xi32>, vector<16xi32>], vector<16xf32>,
      %parallel_loop3A_192 = arith.constant 3 : i32
      %parallel_loop3A_193 = arith.index_cast %parallel_loop3A_192 : i32 to index
      %parallel_loop3A_194 = arith.index_cast %parallel_loop3A_165 : i32 to index
      %parallel_loop3A_195 = arith.index_cast %parallel_loop3A_169 : i32 to index
      %parallel_loop3A_196 = tpu.vector_load %arg8[%parallel_loop3A_193, %parallel_loop3A_194, %parallel_loop3A_195] {strides = array<i32>} : memref<5x50x256xf32, #tpu.memory_space<vmem>>, vector<16xf32>,
      tpu.vector_store %arg8[%parallel_loop3A_193, %parallel_loop3A_194, %parallel_loop3A_195], %parallel_loop3A_191 {strides = array<i32>} : memref<5x50x256xf32, #tpu.memory_space<vmem>>, vector<16xf32>,
      %parallel_loop3A_197 = tpu.vector_load_idx %arg5[%broadcast_in_dim3A_24, %parallel_loop3A_172] : memref<5x52xf32, #tpu.memory_space<vmem>>[vector<16xi32>, vector<16xi32>], vector<16xf32>,
      %parallel_loop3A_198 = arith.constant 4 : i32
      %parallel_loop3A_199 = arith.index_cast %parallel_loop3A_198 : i32 to index
      %parallel_loop3A_200 = arith.index_cast %parallel_loop3A_165 : i32 to index
      %parallel_loop3A_201 = arith.index_cast %parallel_loop3A_169 : i32 to index
      %parallel_loop3A_202 = tpu.vector_load %arg8[%parallel_loop3A_199, %parallel_loop3A_200, %parallel_loop3A_201] {strides = array<i32>} : memref<5x50x256xf32, #tpu.memory_space<vmem>>, vector<16xf32>,
      tpu.vector_store %arg8[%parallel_loop3A_199, %parallel_loop3A_200, %parallel_loop3A_201], %parallel_loop3A_197 {strides = array<i32>} : memref<5x50x256xf32, #tpu.memory_space<vmem>>, vector<16xf32>,
    } {sc.loop_unroll_factor = 8 : i64, sc.parallel_access}
    %add3A_119 = arith.constant 256 : i32
    %add3A_120 = arith.addi %mul3A_4, %add3A_119 : i32
    %dma_start3A_121 = arith.constant 0 : i32
    %dma_start3A_122 = arith.constant 24 : i32
    %dma_start3A_123 = arith.constant 0 : i32
    %dma_start3A_124 = tpu.memref_slice %arg8[%dma_start3A_121, %dma_start3A_122, %dma_start3A_123] : memref<5x50x256xf32, #tpu.memory_space<vmem>> -> memref<5x26x256xf32, #tpu.memory_space<vmem>>
    %dma_start3A_125 = arith.constant 0 : i32
    %dma_start3A_126 = arith.constant 24 : i32
    %dma_start3A_127 = tpu.memref_slice %arg4[%dma_start3A_125, %dma_start3A_126, %add3A_120] : memref<5x50x16384xf32, #tpu.memory_space<hbm>> -> memref<5x26x256xf32, #tpu.memory_space<hbm>>
    %dma_start3A_128 = arith.constant 0 : i32
    %dma_start3A_129 = arith.constant 24 : i32
    %dma_start3A_130 = tpu.memref_slice %arg4[%dma_start3A_128, %dma_start3A_129, %add3A_120] : memref<5x50x16384xf32, #tpu.memory_space<hbm>> -> memref<5x26x256xf32, #tpu.memory_space<hbm>>
    %dma_start3A_131 = arith.constant 0 : i32
    %dma_start3A_132 = arith.constant 24 : i32
    %dma_start3A_133 = arith.constant 0 : i32
    %dma_start3A_134 = tpu.memref_slice %arg8[%dma_start3A_131, %dma_start3A_132, %dma_start3A_133] : memref<5x50x256xf32, #tpu.memory_space<vmem>> -> memref<5x26x256xf32, #tpu.memory_space<vmem>>
    tpu.enqueue_dma source(%dma_start3A_134 : memref<5x26x256xf32, #tpu.memory_space<vmem>>) target(%dma_start3A_130 : memref<5x26x256xf32, #tpu.memory_space<hbm>>) target_semaphore(%arg12 : memref<!tpu.dma_semaphore, #tpu.memory_space<semaphore_mem>>)
    %dma_wait3A_135 = arith.constant 0 : i32
    %dma_wait3A_136 = arith.constant 0 : i32
    %dma_wait3A_137 = arith.constant 0 : i32
    %dma_wait3A_138 = tpu.memref_slice %arg8[%dma_wait3A_135, %dma_wait3A_136, %dma_wait3A_137] : memref<5x50x256xf32, #tpu.memory_space<vmem>> -> memref<5x24x256xf32, #tpu.memory_space<vmem>>
    %dma_wait3A_139 = arith.constant 0 : i32
    %dma_wait3A_140 = arith.constant 0 : i32
    %dma_wait3A_141 = tpu.memref_slice %arg4[%dma_wait3A_139, %dma_wait3A_140, %add3A_87] : memref<5x50x16384xf32, #tpu.memory_space<hbm>> -> memref<5x24x256xf32, #tpu.memory_space<hbm>>
    %dma_wait3A_142 = arith.constant 0 : i32
    %dma_wait3A_143 = arith.constant 0 : i32
    %dma_wait3A_144 = tpu.memref_slice %arg4[%dma_wait3A_142, %dma_wait3A_143, %add3A_87] : memref<5x50x16384xf32, #tpu.memory_space<hbm>> -> memref<5x24x256xf32, #tpu.memory_space<hbm>>
    %dma_wait3A_145 = arith.constant 0 : i32
    %dma_wait3A_146 = arith.constant 0 : i32
    %dma_wait3A_147 = arith.constant 0 : i32
    %dma_wait3A_148 = tpu.memref_slice %arg8[%dma_wait3A_145, %dma_wait3A_146, %dma_wait3A_147] : memref<5x50x256xf32, #tpu.memory_space<vmem>> -> memref<5x24x256xf32, #tpu.memory_space<vmem>>
    tpu.wait_dma2 semaphore(%arg11 : memref<!tpu.dma_semaphore, #tpu.memory_space<semaphore_mem>>) src(%dma_wait3A_148 : memref<5x24x256xf32, #tpu.memory_space<vmem>>) dst(%dma_wait3A_144 : memref<5x24x256xf32, #tpu.memory_space<hbm>>)
    %dma_wait3A_149 = arith.constant 0 : i32
    %dma_wait3A_150 = arith.constant 24 : i32
    %dma_wait3A_151 = arith.constant 0 : i32
    %dma_wait3A_152 = tpu.memref_slice %arg8[%dma_wait3A_149, %dma_wait3A_150, %dma_wait3A_151] : memref<5x50x256xf32, #tpu.memory_space<vmem>> -> memref<5x26x256xf32, #tpu.memory_space<vmem>>
    %dma_wait3A_153 = arith.constant 0 : i32
    %dma_wait3A_154 = arith.constant 24 : i32
    %dma_wait3A_155 = tpu.memref_slice %arg4[%dma_wait3A_153, %dma_wait3A_154, %add3A_120] : memref<5x50x16384xf32, #tpu.memory_space<hbm>> -> memref<5x26x256xf32, #tpu.memory_space<hbm>>
    %dma_wait3A_156 = arith.constant 0 : i32
    %dma_wait3A_157 = arith.constant 24 : i32
    %dma_wait3A_158 = tpu.memref_slice %arg4[%dma_wait3A_156, %dma_wait3A_157, %add3A_120] : memref<5x50x16384xf32, #tpu.memory_space<hbm>> -> memref<5x26x256xf32, #tpu.memory_space<hbm>>
    %dma_wait3A_159 = arith.constant 0 : i32
    %dma_wait3A_160 = arith.constant 24 : i32
    %dma_wait3A_161 = arith.constant 0 : i32
    %dma_wait3A_162 = tpu.memref_slice %arg8[%dma_wait3A_159, %dma_wait3A_160, %dma_wait3A_161] : memref<5x50x256xf32, #tpu.memory_space<vmem>> -> memref<5x26x256xf32, #tpu.memory_space<vmem>>
    tpu.wait_dma2 semaphore(%arg12 : memref<!tpu.dma_semaphore, #tpu.memory_space<semaphore_mem>>) src(%dma_wait3A_162 : memref<5x26x256xf32, #tpu.memory_space<vmem>>) dst(%dma_wait3A_158 : memref<5x26x256xf32, #tpu.memory_space<hbm>>)
    return
  }
}

</mosaic_0001>

<sc_bundles>
// kernel: kernel.3.cloned.1.call-start
scs
__scs_entry_jumppad:
0x0: {  	(pc) =	sbr.rel $0x88, $3  }
0x1: {  	(tag) =	ssettag $0x0;
	lr =	simm.s32 $0x1  }
0x2: {  	[smem:$0x3F9F] =	sst lr;
	_ =	strace $0xD0000000  }
0x3: {  	_ = 	snop  }
0x4: {  	_ = 	snop  }
0x5: {  	_ = 	snop  }
0x6: {  	_ = 	snop  }
0x7: {  	_ = 	snop  }
__scs_overlays_trampoline_lowered:
0x8: {  	[smem:$0x3FAE] =	sst s0  }
0x9: {  	[smem:$0x3FAF] =	sst s1  }
0xa: {  	[smem:$0x3FB0] =	sst s2  }
0xb: {  	[smem:$0x3FB1] =	sst s3  }
0xc: {  	[smem:$0x3FB2] =	sst s4  }
0xd: {  	[smem:$0x3FB3] =	sst s5  }
0xe: {  	[smem:$0x3FB4] =	sst s6  }
0xf: {  	[smem:$0x3FB5] =	sst s7  }
0x10: {  	[smem:$0x3FB6] =	sst s8  }
0x11: {  	[smem:$0x3FB7] =	sst s9;
	s0 =	simm.s32 @!p0 $0x0  }
0x12: {  	s1 =	sld [smem:$0x3F9D];
	s0 =	simm.s32 @p0 $0x1  }
0x13: {  	[smem:$0x3FB8] =	sst s0;
	s0 =	simm.s32 @!p1 $0x0  }
0x14: {  	s2 =	sld [smem:$0x3F9C];
	s0 =	simm.s32 @p1 $0x1  }
0x15: {  	[smem:$0x3FB9] =	sst s0;
	s0 =	simm.s32 @!p2 $0x0  }
0x16: {  	s3 =	sld [smem:$0x3FDB];
	s0 =	simm.s32 @p2 $0x1  }
0x17: {  	s4 =	simm.s32 $0x1BF5;
	[smem:$0x3FBB] =	sst s0  }
0x18: {  	s0 =	sld [smem:$0x3F9E];
	_ =	swait.ge [sflag:s4], $0x0  }
0x19: {  	s7 =	sld [smem:$0x3F9F]  }
0x1a: {  	s8 =	sadd.s32 $0xFFFFE003, lr  }
0x1b: {  	s9 =	sadd.s32 $0xFFFFFEF7, lr;
	s5 =	simm.s32 $0xFFFFFFFF;
	p2 =	slt.u32 s8, $0xFFFFF086  }
0x1c: {  	p1 =	slt.u32 s9, $0xF7A;
	s5 =	simm.s32 @!p2 $0x0  }
0x1d: {  	s5 =	simm.s32 @p1 $0x1;
	p0 =	seq.s32 s7, s2  }
0x1e: {  	s7 =	smul.u32 @!p0 $0xF7A, s2;
	p2 =	seq.s32 @!p0 s5, $0x0  }
0x1f: {  	s9 =	smul.u32 $0xF7A, s1;
	s8 =	simm.s32 @!p0 $0x1BF5;
	p2 =	por !p2, p0  }
0x20: {  	[sflag:s8] =	ssyncset.s32 @!p0 $0xFFFFF086;
	s6 =	sadd.s32 @!p0 s3, s7;
	s7 =	simm.s32 @!p0 $0x108  }
0x21: {  	s3 =	sadd.s32 s3, s9;
	s6 =	sadd.s32 @!p0 $0x88, s6;
	s7 =	simm.s32 @p2 $0x1082  }
0x22: {  	[simem:s7], [sflag:s8] =	dma.local @!p0 [hbm:s6], $0xF7A  }
0x23: {  	s9 =	sor.u32 $0xD0000000, s2;
	s6 =	simm.s32 $0x108;
	_ =	swait.ge @!p0 [sflag:s8], $0x0  }
0x24: {  	s3 =	sadd.s32 $0x88, s3;
	s6 =	simm.s32 @!p1 $0x1082;
	[sflag:s4] =	ssyncset.s32 $0xFFFFF086  }
0x25: {  	[simem:s6], [sflag:s4] =	dma.local [hbm:s3], $0xF7A  }
0x26: {  	[smem:$0x3F9F] =	sst s1;
	(tag) =	ssettag s2;
	_ =	strace s9  }
0x27: {  	s1 =	sld [smem:$0x3FAF]  }
0x28: {  	s2 =	sld [smem:$0x3FB0]  }
0x29: {  	s4 =	sld [smem:$0x3FB2]  }
0x2a: {  	p0 =	seq.s32 s5, $0x0;
	s5 =	sld [smem:$0x3FB3]  }
0x2b: {  	s6 =	sld [smem:$0x3FB4]  }
0x2c: {  	s7 =	sld [smem:$0x3FB5]  }
0x2d: {  	s3 =	simm.s32 $0x108;
	s8 =	sld [smem:$0x3FB6]  }
0x2e: {  	s3 =	simm.s32 @!p0 $0x1082;
	s9 =	sld [smem:$0x3FB7]  }
0x2f: {  	lr =	sadd.s32 s0, s3;
	s0 =	sld [smem:$0x3FAE]  }
0x30: {  	s3 =	sld [smem:$0x3FB1]  }
0x31: {  	[smem:$0x3FBA] =	sst s10  }
0x32: {  	s10 =	sld [smem:$0x3FB8];
	_ =	sdelay $0x3  }
0x33: {  	p0 =	seq.s32 s10, $0x1;
	s10 =	sld [smem:$0x3FBA];
	_ =	sdelay $0x3  }
0x34: {  	[smem:$0x3FBA] =	sst s10  }
0x35: {  	s10 =	sld [smem:$0x3FB9];
	_ =	sdelay $0x3  }
0x36: {  	p1 =	seq.s32 s10, $0x1;
	s10 =	sld [smem:$0x3FBA];
	_ =	sdelay $0x3  }
0x37: {  	[smem:$0x3FBA] =	sst s10  }
0x38: {  	s10 =	sld [smem:$0x3FBB]  }
0x39: {  	_ = 	snop;
	(pc) =	sbr.ind lr, $3  }
0x3a: {  	_ = 	snop  }
0x3b: {  	_ = 	snop  }
0x3c: {  	p2 =	seq.s32 s10, $0x1;
	s10 =	sld [smem:$0x3FBA]  }
0x3d: {  	_ =	shalt  }
0x3e: {  	_ =	shalt  }
0x3f: {  	_ =	shalt  }
0x40: {  	_ =	shalt  }
0x41: {  	_ =	shalt  }
0x42: {  	_ =	shalt  }
0x43: {  	_ =	shalt  }
0x44: {  	_ =	shalt  }
0x45: {  	_ =	shalt  }
0x46: {  	_ =	shalt  }
0x47: {  	_ =	shalt  }
0x48: {  	_ =	shalt  }
0x49: {  	_ =	shalt  }
0x4a: {  	_ =	shalt  }
0x4b: {  	_ =	shalt  }
0x4c: {  	_ =	shalt  }
0x4d: {  	_ =	shalt  }
0x4e: {  	_ =	shalt  }
0x4f: {  	_ =	shalt  }
0x50: {  	_ =	shalt  }
0x51: {  	_ =	shalt  }
0x52: {  	_ =	shalt  }
0x53: {  	_ =	shalt  }
0x54: {  	_ =	shalt  }
0x55: {  	_ =	shalt  }
0x56: {  	_ =	shalt  }
0x57: {  	_ =	shalt  }
0x58: {  	_ =	shalt  }
0x59: {  	_ =	shalt  }
0x5a: {  	_ =	shalt  }
0x5b: {  	_ =	shalt  }
0x5c: {  	_ =	shalt  }
0x5d: {  	_ =	shalt  }
0x5e: {  	_ =	shalt  }
0x5f: {  	_ =	shalt  }
0x60: {  	_ =	shalt  }
0x61: {  	_ =	shalt  }
0x62: {  	_ =	shalt  }
0x63: {  	_ =	shalt  }
0x64: {  	_ =	shalt  }
0x65: {  	_ =	shalt  }
0x66: {  	_ =	shalt  }
0x67: {  	_ =	shalt  }
0x68: {  	_ =	shalt  }
0x69: {  	_ =	shalt  }
0x6a: {  	_ =	shalt  }
0x6b: {  	_ =	shalt  }
0x6c: {  	_ =	shalt  }
0x6d: {  	_ =	shalt  }
0x6e: {  	_ =	shalt  }
0x6f: {  	_ =	shalt  }
0x70: {  	_ =	shalt  }
0x71: {  	_ =	shalt  }
0x72: {  	_ =	shalt  }
0x73: {  	_ =	shalt  }
0x74: {  	_ =	shalt  }
0x75: {  	_ =	shalt  }
0x76: {  	_ =	shalt  }
0x77: {  	_ =	shalt  }
0x78: {  	_ =	shalt  }
0x79: {  	_ =	shalt  }
0x7a: {  	_ =	shalt  }
0x7b: {  	_ =	shalt  }
0x7c: {  	_ =	shalt  }
0x7d: {  	_ =	shalt  }
0x7e: {  	_ =	shalt  }
0x7f: {  	_ =	shalt  }
0x80: {  	_ =	shalt  }
0x81: {  	_ =	shalt  }
0x82: {  	_ =	shalt  }
0x83: {  	_ =	shalt  }
0x84: {  	_ =	shalt  }
0x85: {  	_ =	shalt  }
0x86: {  	_ =	shalt  }
0x87: {  	_ =	shalt  }
.Lfunc_end0:
.L_simem_size_0:
called_computation_lowered:
.L_overlay_start_0:
0x88: {  	s2 =	sld [smem:$0x3FD9]  }
0x89: {  	s3 =	sld [smem:$0x3FFE];
	_ =	sdelay $0x1  }
0x8a: {  	s1 =	srdreg.scid  }
0x8b: {  	s0 =	sand.u32 $0x1, s1  }
0x8c: {  	s18 =	sshll.u32 s0, $0xA;
	s2 =	sadd.s32 s3, s2  }
0x8d: {  	s2 =	sadd.s32 s2, s18  }
0x8e: {  	[smem:$0x3FC6] =	sst s2  }
0x8f: {  	_ = 	snop  }
0x90: {  	s2 =	sld [smem:$0x3FC9]  }
0x91: {  	s19 =	sld [smem:$0x3FC8]  }
0x92: {  	s4 =	sld [smem:$0x3FD0];
	(tm) =	ssettm $0x1  }
0x93: {  	s5 =	sld [smem:$0x3FFB];
	_ =	sdelay $0x3  }
0x94: {  	_ =	strace s5  }
0x95: {  	s5 =	sld [smem:$0x3FFC];
	_ =	sdelay $0x3  }
0x96: {  	_ =	strace s5  }
0x97: {  	s5 =	sld [smem:$0x3FFD];
	_ =	sdelay $0x3  }
0x98: {  	_ =	strace s5  }
0x99: {  	_ =	strace $0x8FFFFFFF  }
0x9a: {  	s20 =	sld [smem:$0x3FDB];
	_ =	sdelay $0x1  }
0x9b: {  	s6 =	simm.s32 $_scs_section_size  }
0x9c: {  	s7 =	simm.s32 $_size__tile_overlayer_lowered;
	s8 =	simm.s32 $_tile_overlayer_lowered  }
0x9d: {  	s23 =	simm.s32 $0x1BFF;
	s22 =	sshll.u32 s8, $0x1;
	s5 =	sadd.s32 s6, s20  }
0x9e: {  	s9 =	simm.s32 $0x0;
	s21 =	sshll.u32 s7, $0x1;
	s7 =	sadd.s32 s22, s5  }
0x9f: {  	[timem:s9], [sflag:s23] =	dma.local [hbm:s7], s21  }
0xa0: {  	_ =	swait.ge [sflag:s23], s21  }
0xa1: {  	s6 =	ssub.s32 $0x0, s21;
	[sflag:s23] =	ssyncset.done $0x0  }
0xa2: {  	[sflag:s23] =	ssyncadd.s32 s6;
	_ =	sdelay $0x1  }
0xa3: {  	s24 =	simm.s32 $0x1B8B  }
0xa4: {  	_ =	swait.ge [sflag:s24], $0x1  }
0xa5: {  	[sflag:s24] =	ssyncset.done $0x0  }
0xa6: {  	s25 =	simm.s32 $0x1B8E;
	[sflag:s24] =	ssyncadd.s32 $0xFFFFFFFF  }
0xa7: {  	s26 =	simm.s32 $execute0_lowered;
	[smem:$0x3FD2] =	sst s25  }
0xa8: {  	s6 =	sshll.u32 s26, $0x1;
	_ =	strace $0x80000046;
	[dreg:$0x1] =	wrdreg $0xFFFFFFFF  }
0xa9: {  	s28 =	simm.s32 $_size_execute0_lowered;
	s5 =	sadd.s32 s5, s6;
	[dreg:$0x0] =	wrdreg $0x0  }
0xaa: {  	s6 =	sshll.u32 s28, $0x1;
	[dreg:$0x2] =	wrdreg s5  }
0xab: {  	[dreg:$0x3] =	wrdreg s6  }
0xac: {  	[dreg:$0x4] =	wrdreg $0xC0  }
0xad: {  	_ =	task [dreg:s9], $0x5FFFF  }
0xae: {  	[dreg:$0x1] =	wrdreg $0xFFFFFFFF  }
0xaf: {  	[dreg:$0x0] =	wrdreg $0x60  }
0xb0: {  	[dreg:$0x2] =	wrdreg s2  }
0xb1: {  	[dreg:$0x3] =	wrdreg s19  }
0xb2: {  	[dreg:$0x4] =	wrdreg s4  }
0xb3: {  	[dreg:$0x5] =	wrdreg $0x9  }
0xb4: {  	_ =	task.clear_ibuf [dreg:s9], $0x6FFFF;
	_ =	strace $0x90000046  }
0xb5: {  	s29 =	simm.s32 $0x9;
	_ =	strace $0x80000048  }
0xb6: {  	_ =	swait.ge [sflag:s29], $0x1  }
0xb7: {  	[sflag:s29] =	ssyncadd.s32 $0xFFFFFFFF  }
0xb8: {  	_ =	strace $0x90000048  }
0xb9: {  	_ =	sfence  }
0xba: {  	s30 =	sld [smem:$0x0];
	_ =	sdelay $0x2  }
0xbb: {  	s31 =	sshll.u32 s1, $0xD;
	s1 =	sshrl.u32 s1, $0x2  }
0xbc: {  	s3 =	sand.u32 $0x4000, s31;
	s1 =	sadd.s32 s1, s30  }
0xbd: {  	s0 =	sor.u32 s3, s0;
	s1 =	sshll.u32 s1, $0x11  }
0xbe: {  	s0 =	sor.u32 s1, s0  }
0xbf: {  	s0 =	sadd.s32 $0x8F2B, s0  }
0xc0: {  	[sflag:s0] =	ssyncadd.remote.s32 $0x1  }
0xc1: {  	_ =	sfence.sel $0xFFFF  }
0xc2: {  	[dreg:$0x0] =	wrdreg $0xFFFFFFFF;
	(pc) =	sbr.abs _section_cstart, $3  }
0xc3: {  	[dreg:$0x1] =	wrdreg $0xFFFFFFFF  }
0xc4: {  	_ =	task.clear_ibuf [dreg:s9], $0x2FFFF;
	_ =	strace $0x9FFFFFFF  }
0xc5: {  	(tm) =	ssettm $0x7FFFFFFF  }
tec
execute0_lowered:
.L_overlay_start_1:
0x0: {  	(tag) =	ssettag $0x1  }
0x1: {  	s0 =	rddreg [dreg:$0x0]  }
0x2: {  	s1 =	rddreg [dreg:$0x2]  }
0x3: {  	s2 =	srdreg.scid;
	s3 =	simm.s32 $0x0;
	s6 =	stileid.u32  }
0x4: {  	s11 =	simm.s32 $0x800;
	s12 =	simm.s32 $0x20000;
	s15 =	simm.s32 $0x5  }
0x5: {  	s16 =	simm.s32 $0x1;
	s23 =	simm.s32 $0x15400;
	s24 =	simm.s32 $0x8C00  }
0x6: {  	s25 =	simm.s32 $0xC400;
	s26 =	simm.s32 $0xFC00;
	s28 =	simm.s32 $0x13400  }
0x7: {  	s29 =	simm.s32 $0x16C00;
	s30 =	simm.s32 $0x2;
	s2 =	sand.u32 $0x1, s2  }
0x8: {  	s31 =	simm.s32 $0x3;
	[smem:$0x7FF] =	sst s3;
	s4 =	ssub.s32 $0x2, s2  }
0x9: {  	s6 =	sshll.u32 s6, $0x9;
	s2 =	sshll.u32 s2, $0xD;
	s5 =	sshrl.u32 s4, $0x1  }
0xa: {  	_ =	strace $0x80000047;
	s2 =	sor.u32 s6, s2;
	s10 =	ssub.s32 s4, s5  }
0xb: {  	s4 =	sadd.s32 s0, s2;
	s8 =	sor.u32 $0x100, s2;
	s5 =	sadd.s32 s1, s2  }
0xc: {  	s2 =	simm.s32 $0x0;
	s6 =	sadd.s32 s0, s8;
	s7 =	sadd.s32 $0xC000, s5  }
0xd: {  	s8 =	sadd.s32 s1, s8;
	s9 =	sadd.s32 $0xC100, s5;
	s10 =	smax.u32 s10, $0x1  }
0xe: {  	s18 =	sadd.s32 $0x1C000, s5;
	s20 =	sadd.s32 $0x38000, s5;
	s0 =	simm.s32 $0x4  }
.LBB2_1:
0xf: {  	s1 =	simm.s32 $0x400  }
0x10: {  	[tilespmem:s1], [sflag:$0x1] =	stream.strided.gather [hbm4b:s4+s11], $0x3800, s12, s11, $0x38;
	[tilespmem:$0x18C00] =	vst v63  }
0x11: {  	s17 =	simm.s32 $0x3C00  }
0x12: {  	[tilespmem:s17], [sflag:$0x2] =	stream.strided.gather [hbm4b:s6+s11], $0x3800, s12, s11, $0x38;
	[tilespmem:$0x18C00] =	vst v63  }
0x13: {  	s19 =	rddreg [dreg:$0x1]  }
0x14: {  	[tilespmem:s3], [sflag:$0x5] =	stream.linear.gather [hbm4b:s19+s3], $0x280, $0x38;
	[tilespmem:$0x18C00] =	vst v63  }
0x15: {  	_ =	swait.ge [sflag:s15], $0x280  }
0x16: {  	[sflag:s15] =	ssyncset.done $0x0  }
0x17: {  	s21 =	simm.s32 $0x0;
	s13 =	sand.u32 $0x400, s3;
	[sflag:s15] =	ssyncadd.s32 $0xFFFFFD80  }
0x18: {  	s14 =	simm.s32 $0x0;
	s1 =	sand.u32 $0x1800, s21;
	_ =	swait.ge [sflag:s16], $0x3800  }
0x19: {  	s22 =	sand.u32 $0x380, s14;
	s1 =	sor.u32 s13, s1;
	[sflag:s16] =	ssyncset.done $0x0  }
0x1a: {  	s1 =	sor.u32 s22, s1;
	[sflag:s16] =	ssyncadd.s32 $0xFFFFC800  }
0x1b: {  	v0 =	vld [tilespmem:s1+$0x470]  }
0x1c: {  	v1 =	vld [tilespmem:s1+$0x400]  }
0x1d: {  	v2 =	vld [tilespmem:s1+$0x410]  }
0x1e: {  	v3 =	vld [tilespmem:s1+$0x420]  }
0x1f: {  	v6 =	vld [tilespmem:s1+$0x430]  }
0x20: {  	v8 =	vld [tilespmem:s1+$0x440]  }
0x21: {  	v11 =	vld [tilespmem:s1+$0x450]  }
0x22: {  	v12 =	vld [tilespmem:s1+$0x460]  }
0x23: {  	v4 =	vld.idx.msk [tilespmem:v0+s3+$0x0], $0xffff  }
0x24: {  	v5 =	vld.idx.msk [tilespmem:v1+s3+$0x0], $0xffff  }
0x25: {  	v7 =	vld.idx.msk [tilespmem:v2+s3+$0x0], $0xffff  }
0x26: {  	v9 =	vadd.s32 $0x80, v0;
	v10 =	vld.idx.msk [tilespmem:v3+s3+$0x0], $0xffff  }
0x27: {  	v13 =	vadd.s32 $0x80, v1;
	v14 =	vld.idx.msk [tilespmem:v6+s3+$0x0], $0xffff  }
0x28: {  	v15 =	vadd.s32 $0x80, v2;
	v16 =	vld.idx.msk [tilespmem:v8+s3+$0x0], $0xffff  }
0x29: {  	v17 =	vadd.s32 $0x80, v3;
	v18 =	vld.idx.msk [tilespmem:v11+s3+$0x0], $0xffff;
	[tilespmem:s1+$0x7470] =	vst v4  }
0x2a: {  	v19 =	vadd.s32 $0x80, v11;
	[tilespmem:s1+$0x7410] =	vst v7;
	v7 =	vld.idx.msk [tilespmem:v12+s3+$0x0], $0xffff  }
0x2b: {  	v4 =	vadd.s32 $0x80, v6;
	[tilespmem:s1+$0x7400] =	vst v5;
	v5 =	vld.idx.msk [tilespmem:v9+s3+$0x0], $0xffff  }
0x2c: {  	[tilespmem:s1+$0x7420] =	vst v10;
	v9 =	vadd.s32 $0x80, v8;
	v13 =	vld.idx.msk [tilespmem:v13+s3+$0x0], $0xffff  }
0x2d: {  	v50 =	vadd.s32 $0x80, v12;
	[tilespmem:s1+$0x7430] =	vst v14;
	v15 =	vld.idx.msk [tilespmem:v15+s3+$0x0], $0xffff  }
0x2e: {  	v10 =	vadd.s32 $0x100, v0;
	[tilespmem:s1+$0x7450] =	vst v18;
	v17 =	vld.idx.msk [tilespmem:v17+s3+$0x0], $0xffff  }
0x2f: {  	v51 =	vadd.s32 $0x100, v1;
	[tilespmem:s1+$0x7440] =	vst v16;
	v53 =	vld.idx.msk [tilespmem:v19+s3+$0x0], $0xffff  }
0x30: {  	v52 =	vadd.s32 $0x100, v2;
	v4 =	vld.idx.msk [tilespmem:v4+s3+$0x0], $0xffff;
	[tilespmem:s1+$0x7460] =	vst v7  }
0x31: {  	v56 =	vadd.s32 $0x100, v11;
	v9 =	vld.idx.msk [tilespmem:v9+s3+$0x0], $0xffff;
	[tilespmem:s1+$0xAC70] =	vst v5  }
0x32: {  	v5 =	vadd.s32 $0x100, v3;
	[tilespmem:s1+$0xAC00] =	vst v13;
	v14 =	vld.idx.msk [tilespmem:v50+s3+$0x0], $0xffff  }
0x33: {  	[tilespmem:s1+$0xAC10] =	vst v15;
	v7 =	vld.idx.msk [tilespmem:v10+s3+$0x0], $0xffff;
	v10 =	vadd.s32 $0x100, v6  }
0x34: {  	v55 =	vadd.s32 $0x100, v8;
	[tilespmem:s1+$0xAC20] =	vst v17;
	v16 =	vld.idx.msk [tilespmem:v51+s3+$0x0], $0xffff  }
0x35: {  	v54 =	vadd.s32 $0x180, v0;
	[tilespmem:s1+$0xAC50] =	vst v53;
	v18 =	vld.idx.msk [tilespmem:v52+s3+$0x0], $0xffff  }
0x36: {  	v59 =	vld.idx.msk [tilespmem:v56+s3+$0x0], $0xffff;
	[tilespmem:s1+$0xAC30] =	vst v4;
	v4 =	vadd.s32 $0x100, v12  }
0x37: {  	v5 =	vld.idx.msk [tilespmem:v5+s3+$0x0], $0xffff;
	[tilespmem:s1+$0xAC40] =	vst v9;
	v9 =	vadd.s32 $0x180, v1  }
0x38: {  	v10 =	vld.idx.msk [tilespmem:v10+s3+$0x0], $0xffff;
	[tilespmem:s1+$0xE470] =	vst v7;
	v7 =	vadd.s32 $0x180, v2  }
0x39: {  	v58 =	vadd.s32 $0x180, v3;
	[tilespmem:s1+$0xAC60] =	vst v14;
	v19 =	vld.idx.msk [tilespmem:v55+s3+$0x0], $0xffff  }
0x3a: {  	v60 =	vadd.s32 $0x180, v6;
	[tilespmem:s1+$0xE400] =	vst v16;
	v57 =	vld.idx.msk [tilespmem:v54+s3+$0x0], $0xffff  }
0x3b: {  	v0 =	vadd.s32 $0x200, v0;
	[tilespmem:s1+$0xE410] =	vst v18;
	v4 =	vld.idx.msk [tilespmem:v4+s3+$0x0], $0xffff  }
0x3c: {  	v61 =	vadd.s32 $0x180, v8;
	[tilespmem:s1+$0xE450] =	vst v59;
	v62 =	vld.idx.msk [tilespmem:v9+s3+$0x0], $0xffff  }
0x3d: {  	[tilespmem:s1+$0xE420] =	vst v5;
	v5 =	vadd.s32 $0x180, v11;
	v20 =	vld.idx.msk [tilespmem:v7+s3+$0x0], $0xffff  }
0x3e: {  	s17 =	sadd.s32 $0x7400, s1;
	v21 =	vadd.s32 $0x180, v12;
	[tilespmem:s1+$0xE430] =	vst v10;
	v15 =	vld.idx.msk [tilespmem:v58+s3+$0x0], $0xffff  }
0x3f: {  	v1 =	vadd.s32 $0x200, v1;
	[tilespmem:s17+$0xA870] =	vst v57;
	v10 =	vld.idx.msk [tilespmem:v60+s3+$0x0], $0xffff  }
0x40: {  	v63 =	vadd.s32 $0x200, v2;
	[tilespmem:s1+$0xE440] =	vst v19;
	v13 =	vld.idx.msk [tilespmem:v0+s3+$0x0], $0xffff  }
0x41: {  	v9 =	vld.idx.msk [tilespmem:v61+s3+$0x0], $0xffff;
	[tilespmem:s1+$0xE460] =	vst v4;
	v4 =	vadd.s32 $0x200, v3  }
0x42: {  	v3 =	vadd.s32 $0x200, v6;
	[tilespmem:s1+$0x11C00] =	vst v62;
	v7 =	vld.idx.msk [tilespmem:v5+s3+$0x0], $0xffff  }
0x43: {  	v2 =	vadd.s32 $0x200, v8;
	v5 =	vld.idx.msk [tilespmem:v21+s3+$0x0], $0xffff;
	[tilespmem:s17+$0xA810] =	vst v20  }
0x44: {  	v6 =	vld.idx.msk [tilespmem:v1+s3+$0x0], $0xffff;
	[tilespmem:s17+$0xA820] =	vst v15;
	v1 =	vadd.s32 $0x200, v11  }
0x45: {  	s14 =	simm.s32 $0x0;
	s13 =	simm.s32 $0x0;
	v0 =	vadd.s32 $0x200, v12;
	v8 =	vld.idx.msk [tilespmem:v63+s3+$0x0], $0xffff;
	[tilespmem:s17+$0xE070] =	vst v13  }
.LBB2_2:
0x46: {  	s13 =	sadd.s32 $0x8, s13;
	v4 =	vld.idx.msk [tilespmem:v4+s3+$0x0], $0xffff;
	[tilespmem:s17+$0xA830] =	vst v10  }
0x47: {  	s14 =	sadd.s32 $0x400, s14;
	s19 =	sshll.u32 s13, $0x4;
	p0 =	slt.u32 s13, $0x178;
	v3 =	vld.idx.msk [tilespmem:v3+s3+$0x0], $0xffff;
	[tilespmem:s17+$0xA840] =	vst v9  }
0x48: {  	s21 =	sand.u32 $0x400, s14;
	s22 =	sshll.u32 s13, $0x3;
	s19 =	sand.u32 $0x1800, s19;
	v2 =	vld.idx.msk [tilespmem:v2+s3+$0x0], $0xffff;
	[tilespmem:s17+$0xA850] =	vst v7  }
0x49: {  	s19 =	sor.u32 s21, s19;
	s21 =	sand.u32 $0x380, s22;
	v1 =	vld.idx.msk [tilespmem:v1+s3+$0x0], $0xffff;
	[tilespmem:s17+$0xA860] =	vst v5  }
0x4a: {  	[tilespmem:s1+$0x15400] =	vst v6;
	s1 =	sor.u32 s21, s19;
	v0 =	vld.idx.msk [tilespmem:v0+s3+$0x0], $0xffff  }
0x4b: {  	v5 =	vld [tilespmem:s1+$0x470];
	[tilespmem:s17+$0xE010] =	vst v8  }
0x4c: {  	v6 =	vld [tilespmem:s1+$0x400];
	[tilespmem:s17+$0xE020] =	vst v4  }
0x4d: {  	v4 =	vld [tilespmem:s1+$0x410];
	[tilespmem:s17+$0xE030] =	vst v3  }
0x4e: {  	v3 =	vld [tilespmem:s1+$0x420];
	[tilespmem:s17+$0xE040] =	vst v2  }
0x4f: {  	v2 =	vld [tilespmem:s1+$0x430];
	[tilespmem:s17+$0xE050] =	vst v1  }
0x50: {  	v1 =	vld [tilespmem:s1+$0x440];
	[tilespmem:s17+$0xE060] =	vst v0  }
0x51: {  	v7 =	vadd.s32 $0x80, v6;
	v8 =	vadd.s32 $0x100, v6;
	v9 =	vadd.s32 $0x180, v6;
	v0 =	vld [tilespmem:s1+$0x450]  }
0x52: {  	v10 =	vadd.s32 $0x80, v4;
	v11 =	vadd.s32 $0x100, v4;
	v12 =	vadd.s32 $0x180, v4;
	v13 =	vld [tilespmem:s1+$0x460]  }
0x53: {  	v14 =	vadd.s32 $0x80, v3;
	v15 =	vadd.s32 $0x100, v3;
	v16 =	vadd.s32 $0x180, v3;
	v17 =	vld.idx.msk [tilespmem:v5+s3+$0x0], $0xffff  }
0x54: {  	v18 =	vld.idx.msk [tilespmem:v6+s3+$0x0], $0xffff;
	v19 =	vadd.s32 $0x80, v2;
	v20 =	vadd.s32 $0x100, v2;
	v21 =	vadd.s32 $0x180, v2  }
0x55: {  	v25 =	vadd.s32 $0x80, v5;
	v22 =	vld.idx.msk [tilespmem:v4+s3+$0x0], $0xffff;
	v23 =	vadd.s32 $0x80, v1;
	v24 =	vadd.s32 $0x100, v1  }
0x56: {  	v27 =	vadd.s32 $0x180, v1;
	v26 =	vld.idx.msk [tilespmem:v3+s3+$0x0], $0xffff;
	v28 =	vadd.s32 $0x80, v0;
	v29 =	vadd.s32 $0x100, v0  }
0x57: {  	v31 =	vadd.s32 $0x180, v0;
	v30 =	vld.idx.msk [tilespmem:v2+s3+$0x0], $0xffff;
	v32 =	vadd.s32 $0x80, v13;
	v33 =	vadd.s32 $0x100, v13  }
0x58: {  	v34 =	vadd.s32 $0x200, v4;
	v6 =	vadd.s32 $0x200, v6;
	v36 =	vadd.s32 $0x180, v13;
	v35 =	vld.idx.msk [tilespmem:v1+s3+$0x0], $0xffff  }
0x59: {  	v4 =	vadd.s32 $0x200, v3;
	v3 =	vadd.s32 $0x200, v2;
	v2 =	vadd.s32 $0x200, v1;
	v37 =	vld.idx.msk [tilespmem:v0+s3+$0x0], $0xffff;
	[tilespmem:s1+$0x7470] =	vst v17  }
0x5a: {  	v1 =	vadd.s32 $0x200, v0;
	v0 =	vadd.s32 $0x200, v13;
	[tilespmem:s1+$0x7400] =	vst v18;
	v17 =	vld.idx.msk [tilespmem:v25+s3+$0x0], $0xffff  }
0x5b: {  	[tilespmem:s1+$0x7410] =	vst v22;
	v13 =	vld.idx.msk [tilespmem:v13+s3+$0x0], $0xffff  }
0x5c: {  	v18 =	vadd.s32 $0x100, v5;
	v7 =	vld.idx.msk [tilespmem:v7+s3+$0x0], $0xffff;
	[tilespmem:s1+$0x7420] =	vst v26  }
0x5d: {  	v10 =	vld.idx.msk [tilespmem:v10+s3+$0x0], $0xffff;
	[tilespmem:s1+$0x7430] =	vst v30  }
0x5e: {  	v14 =	vld.idx.msk [tilespmem:v14+s3+$0x0], $0xffff;
	[tilespmem:s1+$0x7440] =	vst v35  }
0x5f: {  	v19 =	vld.idx.msk [tilespmem:v19+s3+$0x0], $0xffff;
	[tilespmem:s1+$0x7450] =	vst v37  }
0x60: {  	v22 =	vld.idx.msk [tilespmem:v23+s3+$0x0], $0xffff;
	[tilespmem:s1+$0xAC70] =	vst v17  }
0x61: {  	[tilespmem:s1+$0x7460] =	vst v13;
	v13 =	vld.idx.msk [tilespmem:v18+s3+$0x0], $0xffff  }
0x62: {  	[tilespmem:s1+$0xAC00] =	vst v7;
	v7 =	vld.idx.msk [tilespmem:v28+s3+$0x0], $0xffff  }
0x63: {  	v17 =	vadd.s32 $0x180, v5;
	[tilespmem:s1+$0xAC10] =	vst v10;
	v10 =	vld.idx.msk [tilespmem:v32+s3+$0x0], $0xffff  }
0x64: {  	v8 =	vld.idx.msk [tilespmem:v8+s3+$0x0], $0xffff;
	[tilespmem:s1+$0xAC20] =	vst v14  }
0x65: {  	v11 =	vld.idx.msk [tilespmem:v11+s3+$0x0], $0xffff;
	[tilespmem:s1+$0xAC30] =	vst v19  }
0x66: {  	v14 =	vld.idx.msk [tilespmem:v15+s3+$0x0], $0xffff;
	[tilespmem:s1+$0xAC40] =	vst v22  }
0x67: {  	v15 =	vld.idx.msk [tilespmem:v20+s3+$0x0], $0xffff;
	[tilespmem:s1+$0xE470] =	vst v13  }
0x68: {  	[tilespmem:s1+$0xAC50] =	vst v7;
	v7 =	vld.idx.msk [tilespmem:v17+s3+$0x0], $0xffff  }
0x69: {  	v13 =	vld.idx.msk [tilespmem:v24+s3+$0x0], $0xffff;
	[tilespmem:s1+$0xAC60] =	vst v10  }
0x6a: {  	v5 =	vadd.s32 $0x200, v5;
	[tilespmem:s1+$0xE400] =	vst v8;
	v8 =	vld.idx.msk [tilespmem:v29+s3+$0x0], $0xffff  }
0x6b: {  	[tilespmem:s1+$0xE410] =	vst v11;
	v11 =	vld.idx.msk [tilespmem:v33+s3+$0x0], $0xffff  }
0x6c: {  	v17 =	vld.idx.msk [tilespmem:v9+s3+$0x0], $0xffff;
	[tilespmem:s1+$0xE420] =	vst v14  }
0x6d: {  	s17 =	sadd.s32 $0x7400, s1;
	v12 =	vld.idx.msk [tilespmem:v12+s3+$0x0], $0xffff;
	[tilespmem:s1+$0xE430] =	vst v15  }
0x6e: {  	v14 =	vld.idx.msk [tilespmem:v16+s3+$0x0], $0xffff;
	[tilespmem:s17+$0xA870] =	vst v7  }
0x6f: {  	[tilespmem:s1+$0xE440] =	vst v13;
	v13 =	vld.idx.msk [tilespmem:v5+s3+$0x0], $0xffff  }
0x70: {  	v10 =	vld.idx.msk [tilespmem:v21+s3+$0x0], $0xffff;
	[tilespmem:s1+$0xE450] =	vst v8  }
.Ltmp0:
0x71: {  	v9 =	vld.idx.msk [tilespmem:v27+s3+$0x0], $0xffff;
	[tilespmem:s1+$0xE460] =	vst v11;
	(pc) =	sbr.rel @p0 .LBB2_2-.Ltmp0, $4  }
0x72: {  	[tilespmem:s1+$0x11C00] =	vst v17;
	v7 =	vld.idx.msk [tilespmem:v31+s3+$0x0], $0xffff  }
0x73: {  	[tilespmem:s17+$0xA810] =	vst v12;
	v5 =	vld.idx.msk [tilespmem:v36+s3+$0x0], $0xffff  }
0x74: {  	v6 =	vld.idx.msk [tilespmem:v6+s3+$0x0], $0xffff;
	[tilespmem:s17+$0xA820] =	vst v14  }
0x75: {  	v8 =	vld.idx.msk [tilespmem:v34+s3+$0x0], $0xffff;
	[tilespmem:s17+$0xE070] =	vst v13  }
0x76: {  	_ =	sdelay $0x2  }
0x77: {  	[tilespmem:s17+$0xA830] =	vst v10  }
0x78: {  	v4 =	vld.idx.msk [tilespmem:v4+s3+$0x0], $0xffff;
	[tilespmem:s17+$0xA840] =	vst v9  }
0x79: {  	v3 =	vld.idx.msk [tilespmem:v3+s3+$0x0], $0xffff;
	[tilespmem:s17+$0xA850] =	vst v7  }
0x7a: {  	v2 =	vld.idx.msk [tilespmem:v2+s3+$0x0], $0xffff;
	[tilespmem:s17+$0xA860] =	vst v5  }
0x7b: {  	v1 =	vld.idx.msk [tilespmem:v1+s3+$0x0], $0xffff;
	[tilespmem:s1+$0x15400] =	vst v6  }
0x7c: {  	v0 =	vld.idx.msk [tilespmem:v0+s3+$0x0], $0xffff;
	[tilespmem:s17+$0xE010] =	vst v8  }
0x7d: {  	[tilespmem:s17+$0xE020] =	vst v4  }
0x7e: {  	[tilespmem:s17+$0xE030] =	vst v3  }
0x7f: {  	[tilespmem:s17+$0xE040] =	vst v2  }
0x80: {  	[tilespmem:s17+$0xE050] =	vst v1  }
0x81: {  	s21 =	simm.s32 $0x7400;
	[tilespmem:s17+$0xE060] =	vst v0  }
0x82: {  	[hbm4b:s5+s11] =	stream.strided.scatter [tilespmem:s21], [sflag:$0x3], $0x1800, s12, s11, $0x38;
	[tilespmem:$0x18C00] =	vst v63  }
0x83: {  	s22 =	simm.s32 $0xAC00  }
0x84: {  	[hbm4b:s18+s11] =	stream.strided.scatter [tilespmem:s22], [sflag:$0x3], $0x1800, s12, s11, $0x38;
	[tilespmem:$0x18C00] =	vst v63  }
0x85: {  	s13 =	simm.s32 $0xE400  }
0x86: {  	[hbm4b:s20+s11] =	stream.strided.scatter [tilespmem:s13], [sflag:$0x3], $0x1800, s12, s11, $0x38;
	[tilespmem:$0x18C00] =	vst v63  }
0x87: {  	s14 =	sadd.s32 $0x54000, s5;
	s19 =	simm.s32 $0x1800;
	s13 =	simm.s32 $0x11C00  }
0x88: {  	[hbm4b:s14+s11] =	stream.strided.scatter [tilespmem:s13], [sflag:$0x3], $0x1800, s12, s11, $0x38;
	[tilespmem:$0x18C00] =	vst v63  }
0x89: {  	s1 =	sand.u32 $0x3800, s19;
	s13 =	simm.s32 $0xC000  }
0x8a: {  	s17 =	sadd.s32 $0x70000, s5;
	s21 =	simm.s32 $0xC00;
	s14 =	sand.u32 $0x400, s13  }
0x8b: {  	[hbm4b:s17+s11] =	stream.strided.scatter [tilespmem:s23], [sflag:$0x3], $0x1800, s12, s11, $0x38;
	[tilespmem:$0x18C00] =	vst v63  }
0x8c: {  	s22 =	sand.u32 $0x380, s21;
	s1 =	sor.u32 s14, s1  }
0x8d: {  	s1 =	sor.u32 s22, s1  }
0x8e: {  	v0 =	vld [tilespmem:s1+$0x470]  }
0x8f: {  	v1 =	vld [tilespmem:s1+$0x400]  }
0x90: {  	v2 =	vld [tilespmem:s1+$0x410]  }
0x91: {  	v3 =	vld [tilespmem:s1+$0x420]  }
0x92: {  	v6 =	vld [tilespmem:s1+$0x430]  }
0x93: {  	v8 =	vld [tilespmem:s1+$0x440]  }
0x94: {  	v11 =	vld [tilespmem:s1+$0x450]  }
0x95: {  	v12 =	vld [tilespmem:s1+$0x460]  }
0x96: {  	v4 =	vld.idx.msk [tilespmem:v0+s3+$0x0], $0xffff  }
0x97: {  	v5 =	vld.idx.msk [tilespmem:v1+s3+$0x0], $0xffff  }
0x98: {  	v7 =	vld.idx.msk [tilespmem:v2+s3+$0x0], $0xffff  }
0x99: {  	v9 =	vadd.s32 $0x80, v0;
	v10 =	vld.idx.msk [tilespmem:v3+s3+$0x0], $0xffff  }
0x9a: {  	v13 =	vadd.s32 $0x80, v1;
	v14 =	vld.idx.msk [tilespmem:v6+s3+$0x0], $0xffff  }
0x9b: {  	v15 =	vadd.s32 $0x80, v2;
	v16 =	vld.idx.msk [tilespmem:v8+s3+$0x0], $0xffff  }
0x9c: {  	v17 =	vadd.s32 $0x80, v3;
	v18 =	vld.idx.msk [tilespmem:v11+s3+$0x0], $0xffff;
	[tilespmem:s1+$0x7470] =	vst v4  }
0x9d: {  	v19 =	vadd.s32 $0x80, v11;
	[tilespmem:s1+$0x7410] =	vst v7;
	v7 =	vld.idx.msk [tilespmem:v12+s3+$0x0], $0xffff  }
0x9e: {  	v4 =	vadd.s32 $0x80, v6;
	[tilespmem:s1+$0x7400] =	vst v5;
	v5 =	vld.idx.msk [tilespmem:v9+s3+$0x0], $0xffff  }
0x9f: {  	[tilespmem:s1+$0x7420] =	vst v10;
	v9 =	vadd.s32 $0x80, v8;
	v13 =	vld.idx.msk [tilespmem:v13+s3+$0x0], $0xffff  }
0xa0: {  	v50 =	vadd.s32 $0x80, v12;
	[tilespmem:s1+$0x7430] =	vst v14;
	v15 =	vld.idx.msk [tilespmem:v15+s3+$0x0], $0xffff  }
0xa1: {  	v10 =	vadd.s32 $0x100, v0;
	[tilespmem:s1+$0x7450] =	vst v18;
	v17 =	vld.idx.msk [tilespmem:v17+s3+$0x0], $0xffff  }
0xa2: {  	v51 =	vadd.s32 $0x100, v1;
	[tilespmem:s1+$0x7440] =	vst v16;
	v53 =	vld.idx.msk [tilespmem:v19+s3+$0x0], $0xffff  }
0xa3: {  	v52 =	vadd.s32 $0x100, v2;
	v4 =	vld.idx.msk [tilespmem:v4+s3+$0x0], $0xffff;
	[tilespmem:s1+$0x7460] =	vst v7  }
0xa4: {  	v56 =	vadd.s32 $0x100, v11;
	v9 =	vld.idx.msk [tilespmem:v9+s3+$0x0], $0xffff;
	[tilespmem:s1+$0xAC70] =	vst v5  }
0xa5: {  	v5 =	vadd.s32 $0x100, v3;
	[tilespmem:s1+$0xAC00] =	vst v13;
	v14 =	vld.idx.msk [tilespmem:v50+s3+$0x0], $0xffff  }
0xa6: {  	[tilespmem:s1+$0xAC10] =	vst v15;
	v7 =	vld.idx.msk [tilespmem:v10+s3+$0x0], $0xffff;
	v10 =	vadd.s32 $0x100, v6  }
0xa7: {  	v55 =	vadd.s32 $0x100, v8;
	[tilespmem:s1+$0xAC20] =	vst v17;
	v16 =	vld.idx.msk [tilespmem:v51+s3+$0x0], $0xffff  }
0xa8: {  	v54 =	vadd.s32 $0x180, v0;
	[tilespmem:s1+$0xAC50] =	vst v53;
	v18 =	vld.idx.msk [tilespmem:v52+s3+$0x0], $0xffff  }
0xa9: {  	v59 =	vld.idx.msk [tilespmem:v56+s3+$0x0], $0xffff;
	[tilespmem:s1+$0xAC30] =	vst v4;
	v4 =	vadd.s32 $0x100, v12  }
0xaa: {  	v5 =	vld.idx.msk [tilespmem:v5+s3+$0x0], $0xffff;
	[tilespmem:s1+$0xAC40] =	vst v9;
	v9 =	vadd.s32 $0x180, v1  }
0xab: {  	v10 =	vld.idx.msk [tilespmem:v10+s3+$0x0], $0xffff;
	[tilespmem:s1+$0xE470] =	vst v7;
	v7 =	vadd.s32 $0x180, v2  }
0xac: {  	v58 =	vadd.s32 $0x180, v3;
	[tilespmem:s1+$0xAC60] =	vst v14;
	v19 =	vld.idx.msk [tilespmem:v55+s3+$0x0], $0xffff  }
0xad: {  	v60 =	vadd.s32 $0x180, v6;
	[tilespmem:s1+$0xE400] =	vst v16;
	v57 =	vld.idx.msk [tilespmem:v54+s3+$0x0], $0xffff  }
0xae: {  	v0 =	vadd.s32 $0x200, v0;
	[tilespmem:s1+$0xE410] =	vst v18;
	v4 =	vld.idx.msk [tilespmem:v4+s3+$0x0], $0xffff  }
0xaf: {  	v61 =	vadd.s32 $0x180, v8;
	[tilespmem:s1+$0xE450] =	vst v59;
	v62 =	vld.idx.msk [tilespmem:v9+s3+$0x0], $0xffff  }
0xb0: {  	[tilespmem:s1+$0xE420] =	vst v5;
	v5 =	vadd.s32 $0x180, v11;
	v20 =	vld.idx.msk [tilespmem:v7+s3+$0x0], $0xffff  }
0xb1: {  	s17 =	sadd.s32 $0x7400, s1;
	v21 =	vadd.s32 $0x180, v12;
	[tilespmem:s1+$0xE430] =	vst v10;
	v15 =	vld.idx.msk [tilespmem:v58+s3+$0x0], $0xffff  }
0xb2: {  	v1 =	vadd.s32 $0x200, v1;
	[tilespmem:s17+$0xA870] =	vst v57;
	v10 =	vld.idx.msk [tilespmem:v60+s3+$0x0], $0xffff  }
0xb3: {  	v63 =	vadd.s32 $0x200, v2;
	[tilespmem:s1+$0xE440] =	vst v19;
	v13 =	vld.idx.msk [tilespmem:v0+s3+$0x0], $0xffff  }
0xb4: {  	v9 =	vld.idx.msk [tilespmem:v61+s3+$0x0], $0xffff;
	[tilespmem:s1+$0xE460] =	vst v4;
	v4 =	vadd.s32 $0x200, v3  }
0xb5: {  	v3 =	vadd.s32 $0x200, v6;
	[tilespmem:s1+$0x11C00] =	vst v62;
	v7 =	vld.idx.msk [tilespmem:v5+s3+$0x0], $0xffff  }
0xb6: {  	v2 =	vadd.s32 $0x200, v8;
	v5 =	vld.idx.msk [tilespmem:v21+s3+$0x0], $0xffff;
	[tilespmem:s17+$0xA810] =	vst v20  }
0xb7: {  	v6 =	vld.idx.msk [tilespmem:v1+s3+$0x0], $0xffff;
	[tilespmem:s17+$0xA820] =	vst v15;
	v1 =	vadd.s32 $0x200, v11  }
0xb8: {  	s14 =	simm.s32 $0x180;
	v0 =	vadd.s32 $0x200, v12;
	v8 =	vld.idx.msk [tilespmem:v63+s3+$0x0], $0xffff;
	[tilespmem:s17+$0xE070] =	vst v13  }
.LBB2_4:
0xb9: {  	s14 =	sadd.s32 $0x8, s14;
	v4 =	vld.idx.msk [tilespmem:v4+s3+$0x0], $0xffff;
	[tilespmem:s17+$0xA830] =	vst v10  }
0xba: {  	s13 =	sadd.s32 $0x400, s13;
	s19 =	sshll.u32 s14, $0x4;
	p0 =	slt.u32 s14, $0x318;
	v3 =	vld.idx.msk [tilespmem:v3+s3+$0x0], $0xffff;
	[tilespmem:s17+$0xA840] =	vst v9  }
0xbb: {  	s21 =	sand.u32 $0x400, s13;
	s22 =	sshll.u32 s14, $0x3;
	s19 =	sand.u32 $0x3800, s19;
	v2 =	vld.idx.msk [tilespmem:v2+s3+$0x0], $0xffff;
	[tilespmem:s17+$0xA850] =	vst v7  }
0xbc: {  	s19 =	sor.u32 s21, s19;
	s21 =	sand.u32 $0x380, s22;
	v1 =	vld.idx.msk [tilespmem:v1+s3+$0x0], $0xffff;
	[tilespmem:s17+$0xA860] =	vst v5  }
0xbd: {  	[tilespmem:s1+$0x15400] =	vst v6;
	s1 =	sor.u32 s21, s19;
	v0 =	vld.idx.msk [tilespmem:v0+s3+$0x0], $0xffff  }
0xbe: {  	v5 =	vld [tilespmem:s1+$0x470];
	[tilespmem:s17+$0xE010] =	vst v8  }
0xbf: {  	v6 =	vld [tilespmem:s1+$0x400];
	[tilespmem:s17+$0xE020] =	vst v4  }
0xc0: {  	v4 =	vld [tilespmem:s1+$0x410];
	[tilespmem:s17+$0xE030] =	vst v3  }
0xc1: {  	v3 =	vld [tilespmem:s1+$0x420];
	[tilespmem:s17+$0xE040] =	vst v2  }
0xc2: {  	v2 =	vld [tilespmem:s1+$0x430];
	[tilespmem:s17+$0xE050] =	vst v1  }
0xc3: {  	v1 =	vld [tilespmem:s1+$0x440];
	[tilespmem:s17+$0xE060] =	vst v0  }
0xc4: {  	v7 =	vadd.s32 $0x80, v6;
	v8 =	vadd.s32 $0x100, v6;
	v9 =	vadd.s32 $0x180, v6;
	v0 =	vld [tilespmem:s1+$0x450]  }
0xc5: {  	v10 =	vadd.s32 $0x80, v4;
	v11 =	vadd.s32 $0x100, v4;
	v12 =	vadd.s32 $0x180, v4;
	v13 =	vld [tilespmem:s1+$0x460]  }
0xc6: {  	v14 =	vadd.s32 $0x80, v3;
	v15 =	vadd.s32 $0x100, v3;
	v16 =	vadd.s32 $0x180, v3;
	v17 =	vld.idx.msk [tilespmem:v5+s3+$0x0], $0xffff  }
0xc7: {  	v18 =	vld.idx.msk [tilespmem:v6+s3+$0x0], $0xffff;
	v19 =	vadd.s32 $0x80, v2;
	v20 =	vadd.s32 $0x100, v2;
	v21 =	vadd.s32 $0x180, v2  }
0xc8: {  	v25 =	vadd.s32 $0x80, v5;
	v22 =	vld.idx.msk [tilespmem:v4+s3+$0x0], $0xffff;
	v23 =	vadd.s32 $0x80, v1;
	v24 =	vadd.s32 $0x100, v1  }
0xc9: {  	v27 =	vadd.s32 $0x180, v1;
	v26 =	vld.idx.msk [tilespmem:v3+s3+$0x0], $0xffff;
	v28 =	vadd.s32 $0x80, v0;
	v29 =	vadd.s32 $0x100, v0  }
0xca: {  	v31 =	vadd.s32 $0x180, v0;
	v30 =	vld.idx.msk [tilespmem:v2+s3+$0x0], $0xffff;
	v32 =	vadd.s32 $0x80, v13;
	v33 =	vadd.s32 $0x100, v13  }
0xcb: {  	v34 =	vadd.s32 $0x200, v4;
	v6 =	vadd.s32 $0x200, v6;
	v36 =	vadd.s32 $0x180, v13;
	v35 =	vld.idx.msk [tilespmem:v1+s3+$0x0], $0xffff  }
0xcc: {  	v4 =	vadd.s32 $0x200, v3;
	v3 =	vadd.s32 $0x200, v2;
	v2 =	vadd.s32 $0x200, v1;
	v37 =	vld.idx.msk [tilespmem:v0+s3+$0x0], $0xffff;
	[tilespmem:s1+$0x7470] =	vst v17  }
0xcd: {  	v1 =	vadd.s32 $0x200, v0;
	v0 =	vadd.s32 $0x200, v13;
	[tilespmem:s1+$0x7400] =	vst v18;
	v17 =	vld.idx.msk [tilespmem:v25+s3+$0x0], $0xffff  }
0xce: {  	[tilespmem:s1+$0x7410] =	vst v22;
	v13 =	vld.idx.msk [tilespmem:v13+s3+$0x0], $0xffff  }
0xcf: {  	v18 =	vadd.s32 $0x100, v5;
	v7 =	vld.idx.msk [tilespmem:v7+s3+$0x0], $0xffff;
	[tilespmem:s1+$0x7420] =	vst v26  }
0xd0: {  	v10 =	vld.idx.msk [tilespmem:v10+s3+$0x0], $0xffff;
	[tilespmem:s1+$0x7430] =	vst v30  }
0xd1: {  	v14 =	vld.idx.msk [tilespmem:v14+s3+$0x0], $0xffff;
	[tilespmem:s1+$0x7440] =	vst v35  }
0xd2: {  	v19 =	vld.idx.msk [tilespmem:v19+s3+$0x0], $0xffff;
	[tilespmem:s1+$0x7450] =	vst v37  }
0xd3: {  	v22 =	vld.idx.msk [tilespmem:v23+s3+$0x0], $0xffff;
	[tilespmem:s1+$0xAC70] =	vst v17  }
0xd4: {  	[tilespmem:s1+$0x7460] =	vst v13;
	v13 =	vld.idx.msk [tilespmem:v18+s3+$0x0], $0xffff  }
0xd5: {  	[tilespmem:s1+$0xAC00] =	vst v7;
	v7 =	vld.idx.msk [tilespmem:v28+s3+$0x0], $0xffff  }
0xd6: {  	v17 =	vadd.s32 $0x180, v5;
	[tilespmem:s1+$0xAC10] =	vst v10;
	v10 =	vld.idx.msk [tilespmem:v32+s3+$0x0], $0xffff  }
0xd7: {  	v8 =	vld.idx.msk [tilespmem:v8+s3+$0x0], $0xffff;
	[tilespmem:s1+$0xAC20] =	vst v14  }
0xd8: {  	v11 =	vld.idx.msk [tilespmem:v11+s3+$0x0], $0xffff;
	[tilespmem:s1+$0xAC30] =	vst v19  }
0xd9: {  	v14 =	vld.idx.msk [tilespmem:v15+s3+$0x0], $0xffff;
	[tilespmem:s1+$0xAC40] =	vst v22  }
0xda: {  	v15 =	vld.idx.msk [tilespmem:v20+s3+$0x0], $0xffff;
	[tilespmem:s1+$0xE470] =	vst v13  }
0xdb: {  	[tilespmem:s1+$0xAC50] =	vst v7;
	v7 =	vld.idx.msk [tilespmem:v17+s3+$0x0], $0xffff  }
0xdc: {  	v13 =	vld.idx.msk [tilespmem:v24+s3+$0x0], $0xffff;
	[tilespmem:s1+$0xAC60] =	vst v10  }
0xdd: {  	v5 =	vadd.s32 $0x200, v5;
	[tilespmem:s1+$0xE400] =	vst v8;
	v8 =	vld.idx.msk [tilespmem:v29+s3+$0x0], $0xffff  }
0xde: {  	[tilespmem:s1+$0xE410] =	vst v11;
	v11 =	vld.idx.msk [tilespmem:v33+s3+$0x0], $0xffff  }
0xdf: {  	v17 =	vld.idx.msk [tilespmem:v9+s3+$0x0], $0xffff;
	[tilespmem:s1+$0xE420] =	vst v14  }
0xe0: {  	s17 =	sadd.s32 $0x7400, s1;
	v12 =	vld.idx.msk [tilespmem:v12+s3+$0x0], $0xffff;
	[tilespmem:s1+$0xE430] =	vst v15  }
0xe1: {  	v14 =	vld.idx.msk [tilespmem:v16+s3+$0x0], $0xffff;
	[tilespmem:s17+$0xA870] =	vst v7  }
0xe2: {  	[tilespmem:s1+$0xE440] =	vst v13;
	v13 =	vld.idx.msk [tilespmem:v5+s3+$0x0], $0xffff  }
0xe3: {  	v10 =	vld.idx.msk [tilespmem:v21+s3+$0x0], $0xffff;
	[tilespmem:s1+$0xE450] =	vst v8  }
.Ltmp1:
0xe4: {  	v9 =	vld.idx.msk [tilespmem:v27+s3+$0x0], $0xffff;
	[tilespmem:s1+$0xE460] =	vst v11;
	(pc) =	sbr.rel @p0 .LBB2_4-.Ltmp1, $4  }
0xe5: {  	[tilespmem:s1+$0x11C00] =	vst v17;
	v7 =	vld.idx.msk [tilespmem:v31+s3+$0x0], $0xffff  }
0xe6: {  	[tilespmem:s17+$0xA810] =	vst v12;
	v5 =	vld.idx.msk [tilespmem:v36+s3+$0x0], $0xffff  }
0xe7: {  	v6 =	vld.idx.msk [tilespmem:v6+s3+$0x0], $0xffff;
	[tilespmem:s17+$0xA820] =	vst v14  }
0xe8: {  	v8 =	vld.idx.msk [tilespmem:v34+s3+$0x0], $0xffff;
	[tilespmem:s17+$0xE070] =	vst v13  }
0xe9: {  	_ =	sdelay $0x2  }
0xea: {  	[tilespmem:s17+$0xA830] =	vst v10  }
0xeb: {  	v4 =	vld.idx.msk [tilespmem:v4+s3+$0x0], $0xffff;
	[tilespmem:s17+$0xA840] =	vst v9  }
0xec: {  	v3 =	vld.idx.msk [tilespmem:v3+s3+$0x0], $0xffff;
	[tilespmem:s17+$0xA850] =	vst v7  }
0xed: {  	v2 =	vld.idx.msk [tilespmem:v2+s3+$0x0], $0xffff;
	[tilespmem:s17+$0xA860] =	vst v5  }
0xee: {  	v1 =	vld.idx.msk [tilespmem:v1+s3+$0x0], $0xffff;
	[tilespmem:s1+$0x15400] =	vst v6  }
0xef: {  	v0 =	vld.idx.msk [tilespmem:v0+s3+$0x0], $0xffff;
	[tilespmem:s17+$0xE010] =	vst v8  }
0xf0: {  	[tilespmem:s17+$0xE020] =	vst v4  }
0xf1: {  	[tilespmem:s17+$0xE030] =	vst v3  }
0xf2: {  	[tilespmem:s17+$0xE040] =	vst v2  }
0xf3: {  	[tilespmem:s17+$0xE050] =	vst v1  }
0xf4: {  	[tilespmem:s17+$0xE060] =	vst v0  }
0xf5: {  	[hbm4b:s7+s11] =	stream.strided.scatter [tilespmem:s24], [sflag:$0x4], $0x2000, s12, s11, $0x38;
	[tilespmem:$0x18C00] =	vst v63  }
0xf6: {  	s13 =	sadd.s32 $0x1C000, s7  }
0xf7: {  	[hbm4b:s13+s11] =	stream.strided.scatter [tilespmem:s25], [sflag:$0x4], $0x2000, s12, s11, $0x38;
	[tilespmem:$0x18C00] =	vst v63  }
0xf8: {  	s14 =	sadd.s32 $0x38000, s7  }
0xf9: {  	[hbm4b:s14+s11] =	stream.strided.scatter [tilespmem:s26], [sflag:$0x4], $0x2000, s12, s11, $0x38;
	[tilespmem:$0x18C00] =	vst v63  }
0xfa: {  	s17 =	sadd.s32 $0x54000, s7  }
0xfb: {  	[hbm4b:s17+s11] =	stream.strided.scatter [tilespmem:s28], [sflag:$0x4], $0x2000, s12, s11, $0x38;
	[tilespmem:$0x18C00] =	vst v63  }
0xfc: {  	s19 =	sadd.s32 $0x70000, s7  }
0xfd: {  	[hbm4b:s19+s11] =	stream.strided.scatter [tilespmem:s29], [sflag:$0x4], $0x2000, s12, s11, $0x38;
	[tilespmem:$0x18C00] =	vst v63  }
0xfe: {  	_ =	swait.ge [sflag:s30], $0x3800  }
0xff: {  	s21 =	simm.s32 $0x0;
	[sflag:s30] =	ssyncset.done $0x0  }
0x100: {  	s1 =	simm.s32 $0x0;
	s13 =	simm.s32 $0x0;
	[sflag:s30] =	ssyncadd.s32 $0xFFFFC800  }
0x101: {  	s13 =	sand.u32 $0x1800, s13;
	s14 =	sand.u32 $0x400, s1;
	_ =	swait.ge [sflag:s31], $0x7800  }
0x102: {  	s22 =	sand.u32 $0x380, s21;
	s13 =	sor.u32 s14, s13;
	[sflag:s31] =	ssyncset.done $0x0  }
0x103: {  	s13 =	sor.u32 s22, s13;
	[sflag:s31] =	ssyncadd.s32 $0xFFFF8800  }
0x104: {  	v0 =	vld [tilespmem:s13+$0x3C70]  }
0x105: {  	v1 =	vld [tilespmem:s13+$0x3C00]  }
0x106: {  	v2 =	vld [tilespmem:s13+$0x3C10]  }
0x107: {  	v3 =	vld [tilespmem:s13+$0x3C20]  }
0x108: {  	v6 =	vld [tilespmem:s13+$0x3C30]  }
0x109: {  	v8 =	vld [tilespmem:s13+$0x3C40]  }
0x10a: {  	v11 =	vld [tilespmem:s13+$0x3C50]  }
0x10b: {  	v12 =	vld [tilespmem:s13+$0x3C60]  }
0x10c: {  	v4 =	vld.idx.msk [tilespmem:v0+s3+$0x0], $0xffff  }
0x10d: {  	v5 =	vld.idx.msk [tilespmem:v1+s3+$0x0], $0xffff  }
0x10e: {  	v7 =	vld.idx.msk [tilespmem:v2+s3+$0x0], $0xffff  }
0x10f: {  	v9 =	vadd.s32 $0x80, v0;
	v10 =	vld.idx.msk [tilespmem:v3+s3+$0x0], $0xffff  }
0x110: {  	v13 =	vadd.s32 $0x80, v1;
	v14 =	vld.idx.msk [tilespmem:v6+s3+$0x0], $0xffff  }
0x111: {  	v15 =	vadd.s32 $0x80, v2;
	v16 =	vld.idx.msk [tilespmem:v8+s3+$0x0], $0xffff  }
0x112: {  	v17 =	vadd.s32 $0x80, v3;
	v18 =	vld.idx.msk [tilespmem:v11+s3+$0x0], $0xffff;
	[tilespmem:s13+$0x7470] =	vst v4  }
0x113: {  	v19 =	vadd.s32 $0x80, v11;
	[tilespmem:s13+$0x7410] =	vst v7;
	v7 =	vld.idx.msk [tilespmem:v12+s3+$0x0], $0xffff  }
0x114: {  	v4 =	vadd.s32 $0x80, v6;
	[tilespmem:s13+$0x7400] =	vst v5;
	v5 =	vld.idx.msk [tilespmem:v9+s3+$0x0], $0xffff  }
0x115: {  	[tilespmem:s13+$0x7420] =	vst v10;
	v9 =	vadd.s32 $0x80, v8;
	v13 =	vld.idx.msk [tilespmem:v13+s3+$0x0], $0xffff  }
0x116: {  	v50 =	vadd.s32 $0x80, v12;
	[tilespmem:s13+$0x7430] =	vst v14;
	v15 =	vld.idx.msk [tilespmem:v15+s3+$0x0], $0xffff  }
0x117: {  	v10 =	vadd.s32 $0x100, v0;
	[tilespmem:s13+$0x7450] =	vst v18;
	v17 =	vld.idx.msk [tilespmem:v17+s3+$0x0], $0xffff  }
0x118: {  	v51 =	vadd.s32 $0x100, v1;
	[tilespmem:s13+$0x7440] =	vst v16;
	v53 =	vld.idx.msk [tilespmem:v19+s3+$0x0], $0xffff  }
0x119: {  	v52 =	vadd.s32 $0x100, v2;
	v4 =	vld.idx.msk [tilespmem:v4+s3+$0x0], $0xffff;
	[tilespmem:s13+$0x7460] =	vst v7  }
0x11a: {  	v56 =	vadd.s32 $0x100, v11;
	v9 =	vld.idx.msk [tilespmem:v9+s3+$0x0], $0xffff;
	[tilespmem:s13+$0xAC70] =	vst v5  }
0x11b: {  	v5 =	vadd.s32 $0x100, v3;
	[tilespmem:s13+$0xAC00] =	vst v13;
	v14 =	vld.idx.msk [tilespmem:v50+s3+$0x0], $0xffff  }
0x11c: {  	[tilespmem:s13+$0xAC10] =	vst v15;
	v7 =	vld.idx.msk [tilespmem:v10+s3+$0x0], $0xffff;
	v10 =	vadd.s32 $0x100, v6  }
0x11d: {  	v55 =	vadd.s32 $0x100, v8;
	[tilespmem:s13+$0xAC20] =	vst v17;
	v16 =	vld.idx.msk [tilespmem:v51+s3+$0x0], $0xffff  }
0x11e: {  	v54 =	vadd.s32 $0x180, v0;
	[tilespmem:s13+$0xAC50] =	vst v53;
	v18 =	vld.idx.msk [tilespmem:v52+s3+$0x0], $0xffff  }
0x11f: {  	v59 =	vld.idx.msk [tilespmem:v56+s3+$0x0], $0xffff;
	[tilespmem:s13+$0xAC30] =	vst v4;
	v4 =	vadd.s32 $0x100, v12  }
0x120: {  	v5 =	vld.idx.msk [tilespmem:v5+s3+$0x0], $0xffff;
	[tilespmem:s13+$0xAC40] =	vst v9;
	v9 =	vadd.s32 $0x180, v1  }
0x121: {  	v10 =	vld.idx.msk [tilespmem:v10+s3+$0x0], $0xffff;
	[tilespmem:s13+$0xE470] =	vst v7;
	v7 =	vadd.s32 $0x180, v2  }
0x122: {  	v58 =	vadd.s32 $0x180, v3;
	[tilespmem:s13+$0xAC60] =	vst v14;
	v19 =	vld.idx.msk [tilespmem:v55+s3+$0x0], $0xffff  }
0x123: {  	v60 =	vadd.s32 $0x180, v6;
	[tilespmem:s13+$0xE400] =	vst v16;
	v57 =	vld.idx.msk [tilespmem:v54+s3+$0x0], $0xffff  }
0x124: {  	v0 =	vadd.s32 $0x200, v0;
	[tilespmem:s13+$0xE410] =	vst v18;
	v4 =	vld.idx.msk [tilespmem:v4+s3+$0x0], $0xffff  }
0x125: {  	v61 =	vadd.s32 $0x180, v8;
	[tilespmem:s13+$0xE450] =	vst v59;
	v62 =	vld.idx.msk [tilespmem:v9+s3+$0x0], $0xffff  }
0x126: {  	[tilespmem:s13+$0xE420] =	vst v5;
	v5 =	vadd.s32 $0x180, v11;
	v20 =	vld.idx.msk [tilespmem:v7+s3+$0x0], $0xffff  }
0x127: {  	s17 =	sadd.s32 $0x7400, s13;
	v21 =	vadd.s32 $0x180, v12;
	[tilespmem:s13+$0xE430] =	vst v10;
	v15 =	vld.idx.msk [tilespmem:v58+s3+$0x0], $0xffff  }
0x128: {  	v1 =	vadd.s32 $0x200, v1;
	[tilespmem:s17+$0xA870] =	vst v57;
	v10 =	vld.idx.msk [tilespmem:v60+s3+$0x0], $0xffff  }
0x129: {  	v63 =	vadd.s32 $0x200, v2;
	[tilespmem:s13+$0xE440] =	vst v19;
	v13 =	vld.idx.msk [tilespmem:v0+s3+$0x0], $0xffff  }
0x12a: {  	v9 =	vld.idx.msk [tilespmem:v61+s3+$0x0], $0xffff;
	[tilespmem:s13+$0xE460] =	vst v4;
	v4 =	vadd.s32 $0x200, v3  }
0x12b: {  	v3 =	vadd.s32 $0x200, v6;
	[tilespmem:s13+$0x11C00] =	vst v62;
	v7 =	vld.idx.msk [tilespmem:v5+s3+$0x0], $0xffff  }
0x12c: {  	v2 =	vadd.s32 $0x200, v8;
	v5 =	vld.idx.msk [tilespmem:v21+s3+$0x0], $0xffff;
	[tilespmem:s17+$0xA810] =	vst v20  }
0x12d: {  	v6 =	vld.idx.msk [tilespmem:v1+s3+$0x0], $0xffff;
	[tilespmem:s17+$0xA820] =	vst v15;
	v1 =	vadd.s32 $0x200, v11  }
0x12e: {  	s14 =	simm.s32 $0x0;
	v0 =	vadd.s32 $0x200, v12;
	v8 =	vld.idx.msk [tilespmem:v63+s3+$0x0], $0xffff;
	[tilespmem:s17+$0xE070] =	vst v13  }
.LBB2_6:
0x12f: {  	s14 =	sadd.s32 $0x8, s14;
	v4 =	vld.idx.msk [tilespmem:v4+s3+$0x0], $0xffff;
	[tilespmem:s17+$0xA830] =	vst v10  }
0x130: {  	s1 =	sadd.s32 $0x400, s1;
	s19 =	sshll.u32 s14, $0x4;
	p0 =	slt.u32 s14, $0x178;
	v3 =	vld.idx.msk [tilespmem:v3+s3+$0x0], $0xffff;
	[tilespmem:s17+$0xA840] =	vst v9  }
0x131: {  	s21 =	sand.u32 $0x400, s1;
	s22 =	sshll.u32 s14, $0x3;
	s19 =	sand.u32 $0x1800, s19;
	v2 =	vld.idx.msk [tilespmem:v2+s3+$0x0], $0xffff;
	[tilespmem:s17+$0xA850] =	vst v7  }
0x132: {  	s19 =	sor.u32 s21, s19;
	s21 =	sand.u32 $0x380, s22;
	v1 =	vld.idx.msk [tilespmem:v1+s3+$0x0], $0xffff;
	[tilespmem:s17+$0xA860] =	vst v5  }
0x133: {  	[tilespmem:s13+$0x15400] =	vst v6;
	s13 =	sor.u32 s21, s19;
	v0 =	vld.idx.msk [tilespmem:v0+s3+$0x0], $0xffff  }
0x134: {  	v5 =	vld [tilespmem:s13+$0x3C70];
	[tilespmem:s17+$0xE010] =	vst v8  }
0x135: {  	v6 =	vld [tilespmem:s13+$0x3C00];
	[tilespmem:s17+$0xE020] =	vst v4  }
0x136: {  	v4 =	vld [tilespmem:s13+$0x3C10];
	[tilespmem:s17+$0xE030] =	vst v3  }
0x137: {  	v3 =	vld [tilespmem:s13+$0x3C20];
	[tilespmem:s17+$0xE040] =	vst v2  }
0x138: {  	v2 =	vld [tilespmem:s13+$0x3C30];
	[tilespmem:s17+$0xE050] =	vst v1  }
0x139: {  	v1 =	vld [tilespmem:s13+$0x3C40];
	[tilespmem:s17+$0xE060] =	vst v0  }
0x13a: {  	v7 =	vadd.s32 $0x80, v6;
	v8 =	vadd.s32 $0x100, v6;
	v9 =	vadd.s32 $0x180, v6;
	v0 =	vld [tilespmem:s13+$0x3C50]  }
0x13b: {  	v10 =	vadd.s32 $0x80, v4;
	v11 =	vadd.s32 $0x100, v4;
	v12 =	vadd.s32 $0x180, v4;
	v13 =	vld [tilespmem:s13+$0x3C60]  }
0x13c: {  	v14 =	vadd.s32 $0x80, v3;
	v15 =	vadd.s32 $0x100, v3;
	v16 =	vadd.s32 $0x180, v3;
	v17 =	vld.idx.msk [tilespmem:v5+s3+$0x0], $0xffff  }
0x13d: {  	v18 =	vld.idx.msk [tilespmem:v6+s3+$0x0], $0xffff;
	v19 =	vadd.s32 $0x80, v2;
	v20 =	vadd.s32 $0x100, v2;
	v21 =	vadd.s32 $0x180, v2  }
0x13e: {  	v25 =	vadd.s32 $0x80, v5;
	v22 =	vld.idx.msk [tilespmem:v4+s3+$0x0], $0xffff;
	v23 =	vadd.s32 $0x80, v1;
	v24 =	vadd.s32 $0x100, v1  }
0x13f: {  	v27 =	vadd.s32 $0x180, v1;
	v26 =	vld.idx.msk [tilespmem:v3+s3+$0x0], $0xffff;
	v28 =	vadd.s32 $0x80, v0;
	v29 =	vadd.s32 $0x100, v0  }
0x140: {  	v31 =	vadd.s32 $0x180, v0;
	v30 =	vld.idx.msk [tilespmem:v2+s3+$0x0], $0xffff;
	v32 =	vadd.s32 $0x80, v13;
	v33 =	vadd.s32 $0x100, v13  }
0x141: {  	v34 =	vadd.s32 $0x200, v4;
	v6 =	vadd.s32 $0x200, v6;
	v36 =	vadd.s32 $0x180, v13;
	v35 =	vld.idx.msk [tilespmem:v1+s3+$0x0], $0xffff  }
0x142: {  	v4 =	vadd.s32 $0x200, v3;
	v3 =	vadd.s32 $0x200, v2;
	v2 =	vadd.s32 $0x200, v1;
	v37 =	vld.idx.msk [tilespmem:v0+s3+$0x0], $0xffff;
	[tilespmem:s13+$0x7470] =	vst v17  }
0x143: {  	v1 =	vadd.s32 $0x200, v0;
	v0 =	vadd.s32 $0x200, v13;
	[tilespmem:s13+$0x7400] =	vst v18;
	v17 =	vld.idx.msk [tilespmem:v25+s3+$0x0], $0xffff  }
0x144: {  	[tilespmem:s13+$0x7410] =	vst v22;
	v13 =	vld.idx.msk [tilespmem:v13+s3+$0x0], $0xffff  }
0x145: {  	v18 =	vadd.s32 $0x100, v5;
	v7 =	vld.idx.msk [tilespmem:v7+s3+$0x0], $0xffff;
	[tilespmem:s13+$0x7420] =	vst v26  }
0x146: {  	v10 =	vld.idx.msk [tilespmem:v10+s3+$0x0], $0xffff;
	[tilespmem:s13+$0x7430] =	vst v30  }
0x147: {  	v14 =	vld.idx.msk [tilespmem:v14+s3+$0x0], $0xffff;
	[tilespmem:s13+$0x7440] =	vst v35  }
0x148: {  	v19 =	vld.idx.msk [tilespmem:v19+s3+$0x0], $0xffff;
	[tilespmem:s13+$0x7450] =	vst v37  }
0x149: {  	v22 =	vld.idx.msk [tilespmem:v23+s3+$0x0], $0xffff;
	[tilespmem:s13+$0xAC70] =	vst v17  }
0x14a: {  	[tilespmem:s13+$0x7460] =	vst v13;
	v13 =	vld.idx.msk [tilespmem:v18+s3+$0x0], $0xffff  }
0x14b: {  	[tilespmem:s13+$0xAC00] =	vst v7;
	v7 =	vld.idx.msk [tilespmem:v28+s3+$0x0], $0xffff  }
0x14c: {  	v17 =	vadd.s32 $0x180, v5;
	[tilespmem:s13+$0xAC10] =	vst v10;
	v10 =	vld.idx.msk [tilespmem:v32+s3+$0x0], $0xffff  }
0x14d: {  	v8 =	vld.idx.msk [tilespmem:v8+s3+$0x0], $0xffff;
	[tilespmem:s13+$0xAC20] =	vst v14  }
0x14e: {  	v11 =	vld.idx.msk [tilespmem:v11+s3+$0x0], $0xffff;
	[tilespmem:s13+$0xAC30] =	vst v19  }
0x14f: {  	v14 =	vld.idx.msk [tilespmem:v15+s3+$0x0], $0xffff;
	[tilespmem:s13+$0xAC40] =	vst v22  }
0x150: {  	v15 =	vld.idx.msk [tilespmem:v20+s3+$0x0], $0xffff;
	[tilespmem:s13+$0xE470] =	vst v13  }
0x151: {  	[tilespmem:s13+$0xAC50] =	vst v7;
	v7 =	vld.idx.msk [tilespmem:v17+s3+$0x0], $0xffff  }
0x152: {  	v13 =	vld.idx.msk [tilespmem:v24+s3+$0x0], $0xffff;
	[tilespmem:s13+$0xAC60] =	vst v10  }
0x153: {  	v5 =	vadd.s32 $0x200, v5;
	[tilespmem:s13+$0xE400] =	vst v8;
	v8 =	vld.idx.msk [tilespmem:v29+s3+$0x0], $0xffff  }
0x154: {  	[tilespmem:s13+$0xE410] =	vst v11;
	v11 =	vld.idx.msk [tilespmem:v33+s3+$0x0], $0xffff  }
0x155: {  	v17 =	vld.idx.msk [tilespmem:v9+s3+$0x0], $0xffff;
	[tilespmem:s13+$0xE420] =	vst v14  }
0x156: {  	s17 =	sadd.s32 $0x7400, s13;
	v12 =	vld.idx.msk [tilespmem:v12+s3+$0x0], $0xffff;
	[tilespmem:s13+$0xE430] =	vst v15  }
0x157: {  	v14 =	vld.idx.msk [tilespmem:v16+s3+$0x0], $0xffff;
	[tilespmem:s17+$0xA870] =	vst v7  }
0x158: {  	[tilespmem:s13+$0xE440] =	vst v13;
	v13 =	vld.idx.msk [tilespmem:v5+s3+$0x0], $0xffff  }
0x159: {  	v10 =	vld.idx.msk [tilespmem:v21+s3+$0x0], $0xffff;
	[tilespmem:s13+$0xE450] =	vst v8  }
.Ltmp2:
0x15a: {  	v9 =	vld.idx.msk [tilespmem:v27+s3+$0x0], $0xffff;
	[tilespmem:s13+$0xE460] =	vst v11;
	(pc) =	sbr.rel @p0 .LBB2_6-.Ltmp2, $4  }
0x15b: {  	[tilespmem:s13+$0x11C00] =	vst v17;
	v7 =	vld.idx.msk [tilespmem:v31+s3+$0x0], $0xffff  }
0x15c: {  	[tilespmem:s17+$0xA810] =	vst v12;
	v5 =	vld.idx.msk [tilespmem:v36+s3+$0x0], $0xffff  }
0x15d: {  	v6 =	vld.idx.msk [tilespmem:v6+s3+$0x0], $0xffff;
	[tilespmem:s17+$0xA820] =	vst v14  }
0x15e: {  	v8 =	vld.idx.msk [tilespmem:v34+s3+$0x0], $0xffff;
	[tilespmem:s17+$0xE070] =	vst v13  }
0x15f: {  	_ =	sdelay $0x2  }
0x160: {  	[tilespmem:s17+$0xA830] =	vst v10  }
0x161: {  	v4 =	vld.idx.msk [tilespmem:v4+s3+$0x0], $0xffff;
	[tilespmem:s17+$0xA840] =	vst v9  }
0x162: {  	v3 =	vld.idx.msk [tilespmem:v3+s3+$0x0], $0xffff;
	[tilespmem:s17+$0xA850] =	vst v7  }
0x163: {  	v2 =	vld.idx.msk [tilespmem:v2+s3+$0x0], $0xffff;
	[tilespmem:s17+$0xA860] =	vst v5  }
0x164: {  	v1 =	vld.idx.msk [tilespmem:v1+s3+$0x0], $0xffff;
	[tilespmem:s13+$0x15400] =	vst v6  }
0x165: {  	v0 =	vld.idx.msk [tilespmem:v0+s3+$0x0], $0xffff;
	[tilespmem:s17+$0xE010] =	vst v8  }
0x166: {  	[tilespmem:s17+$0xE020] =	vst v4  }
0x167: {  	[tilespmem:s17+$0xE030] =	vst v3  }
0x168: {  	[tilespmem:s17+$0xE040] =	vst v2  }
0x169: {  	[tilespmem:s17+$0xE050] =	vst v1  }
0x16a: {  	s1 =	simm.s32 $0x7400;
	[tilespmem:s17+$0xE060] =	vst v0  }
0x16b: {  	[hbm4b:s8+s11] =	stream.strided.scatter [tilespmem:s1], [sflag:$0x3], $0x1800, s12, s11, $0x38;
	[tilespmem:$0x18C00] =	vst v63  }
0x16c: {  	s19 =	simm.s32 $0xAC00;
	s17 =	sadd.s32 $0x1C000, s8  }
0x16d: {  	[hbm4b:s17+s11] =	stream.strided.scatter [tilespmem:s19], [sflag:$0x3], $0x1800, s12, s11, $0x38;
	[tilespmem:$0x18C00] =	vst v63  }
0x16e: {  	s21 =	sadd.s32 $0x38000, s8;
	s22 =	simm.s32 $0xE400  }
0x16f: {  	[hbm4b:s21+s11] =	stream.strided.scatter [tilespmem:s22], [sflag:$0x3], $0x1800, s12, s11, $0x38;
	[tilespmem:$0x18C00] =	vst v63  }
0x170: {  	s14 =	simm.s32 $0x11C00;
	s13 =	sadd.s32 $0x54000, s8;
	s1 =	simm.s32 $0xC000  }
0x171: {  	[hbm4b:s13+s11] =	stream.strided.scatter [tilespmem:s14], [sflag:$0x3], $0x1800, s12, s11, $0x38;
	[tilespmem:$0x18C00] =	vst v63  }
0x172: {  	s17 =	sadd.s32 $0x70000, s8;
	s19 =	simm.s32 $0x1800;
	s21 =	simm.s32 $0xC00  }
0x173: {  	[hbm4b:s17+s11] =	stream.strided.scatter [tilespmem:s23], [sflag:$0x3], $0x1800, s12, s11, $0x38;
	[tilespmem:$0x18C00] =	vst v63  }
0x174: {  	s13 =	sand.u32 $0x3800, s19;
	s14 =	sand.u32 $0x400, s1;
	_ =	swait.ge [sflag:s0], $0xA000  }
0x175: {  	s22 =	sand.u32 $0x380, s21;
	s13 =	sor.u32 s14, s13;
	[sflag:s0] =	ssyncset.done $0x0  }
0x176: {  	s13 =	sor.u32 s22, s13;
	[sflag:s0] =	ssyncadd.s32 $0xFFFF6000  }
0x177: {  	v0 =	vld [tilespmem:s13+$0x3C70]  }
0x178: {  	v1 =	vld [tilespmem:s13+$0x3C00]  }
0x179: {  	v2 =	vld [tilespmem:s13+$0x3C10]  }
0x17a: {  	v3 =	vld [tilespmem:s13+$0x3C20]  }
0x17b: {  	v6 =	vld [tilespmem:s13+$0x3C30]  }
0x17c: {  	v8 =	vld [tilespmem:s13+$0x3C40]  }
0x17d: {  	v11 =	vld [tilespmem:s13+$0x3C50]  }
0x17e: {  	v12 =	vld [tilespmem:s13+$0x3C60]  }
0x17f: {  	v4 =	vld.idx.msk [tilespmem:v0+s3+$0x0], $0xffff  }
0x180: {  	v5 =	vld.idx.msk [tilespmem:v1+s3+$0x0], $0xffff  }
0x181: {  	v7 =	vld.idx.msk [tilespmem:v2+s3+$0x0], $0xffff  }
0x182: {  	v9 =	vadd.s32 $0x80, v0;
	v10 =	vld.idx.msk [tilespmem:v3+s3+$0x0], $0xffff  }
0x183: {  	v13 =	vadd.s32 $0x80, v1;
	v14 =	vld.idx.msk [tilespmem:v6+s3+$0x0], $0xffff  }
0x184: {  	v15 =	vadd.s32 $0x80, v2;
	v16 =	vld.idx.msk [tilespmem:v8+s3+$0x0], $0xffff  }
0x185: {  	v17 =	vadd.s32 $0x80, v3;
	v18 =	vld.idx.msk [tilespmem:v11+s3+$0x0], $0xffff;
	[tilespmem:s13+$0x7470] =	vst v4  }
0x186: {  	v19 =	vadd.s32 $0x80, v11;
	[tilespmem:s13+$0x7410] =	vst v7;
	v7 =	vld.idx.msk [tilespmem:v12+s3+$0x0], $0xffff  }
0x187: {  	v4 =	vadd.s32 $0x80, v6;
	[tilespmem:s13+$0x7400] =	vst v5;
	v5 =	vld.idx.msk [tilespmem:v9+s3+$0x0], $0xffff  }
0x188: {  	[tilespmem:s13+$0x7420] =	vst v10;
	v9 =	vadd.s32 $0x80, v8;
	v13 =	vld.idx.msk [tilespmem:v13+s3+$0x0], $0xffff  }
0x189: {  	v50 =	vadd.s32 $0x80, v12;
	[tilespmem:s13+$0x7430] =	vst v14;
	v15 =	vld.idx.msk [tilespmem:v15+s3+$0x0], $0xffff  }
0x18a: {  	v10 =	vadd.s32 $0x100, v0;
	[tilespmem:s13+$0x7450] =	vst v18;
	v17 =	vld.idx.msk [tilespmem:v17+s3+$0x0], $0xffff  }
0x18b: {  	v51 =	vadd.s32 $0x100, v1;
	[tilespmem:s13+$0x7440] =	vst v16;
	v53 =	vld.idx.msk [tilespmem:v19+s3+$0x0], $0xffff  }
0x18c: {  	v52 =	vadd.s32 $0x100, v2;
	v4 =	vld.idx.msk [tilespmem:v4+s3+$0x0], $0xffff;
	[tilespmem:s13+$0x7460] =	vst v7  }
0x18d: {  	v56 =	vadd.s32 $0x100, v11;
	v9 =	vld.idx.msk [tilespmem:v9+s3+$0x0], $0xffff;
	[tilespmem:s13+$0xAC70] =	vst v5  }
0x18e: {  	v5 =	vadd.s32 $0x100, v3;
	[tilespmem:s13+$0xAC00] =	vst v13;
	v14 =	vld.idx.msk [tilespmem:v50+s3+$0x0], $0xffff  }
0x18f: {  	[tilespmem:s13+$0xAC10] =	vst v15;
	v7 =	vld.idx.msk [tilespmem:v10+s3+$0x0], $0xffff;
	v10 =	vadd.s32 $0x100, v6  }
0x190: {  	v55 =	vadd.s32 $0x100, v8;
	[tilespmem:s13+$0xAC20] =	vst v17;
	v16 =	vld.idx.msk [tilespmem:v51+s3+$0x0], $0xffff  }
0x191: {  	v54 =	vadd.s32 $0x180, v0;
	[tilespmem:s13+$0xAC50] =	vst v53;
	v18 =	vld.idx.msk [tilespmem:v52+s3+$0x0], $0xffff  }
0x192: {  	v59 =	vld.idx.msk [tilespmem:v56+s3+$0x0], $0xffff;
	[tilespmem:s13+$0xAC30] =	vst v4;
	v4 =	vadd.s32 $0x100, v12  }
0x193: {  	v5 =	vld.idx.msk [tilespmem:v5+s3+$0x0], $0xffff;
	[tilespmem:s13+$0xAC40] =	vst v9;
	v9 =	vadd.s32 $0x180, v1  }
0x194: {  	v10 =	vld.idx.msk [tilespmem:v10+s3+$0x0], $0xffff;
	[tilespmem:s13+$0xE470] =	vst v7;
	v7 =	vadd.s32 $0x180, v2  }
0x195: {  	v58 =	vadd.s32 $0x180, v3;
	[tilespmem:s13+$0xAC60] =	vst v14;
	v19 =	vld.idx.msk [tilespmem:v55+s3+$0x0], $0xffff  }
0x196: {  	v60 =	vadd.s32 $0x180, v6;
	[tilespmem:s13+$0xE400] =	vst v16;
	v57 =	vld.idx.msk [tilespmem:v54+s3+$0x0], $0xffff  }
0x197: {  	v0 =	vadd.s32 $0x200, v0;
	[tilespmem:s13+$0xE410] =	vst v18;
	v4 =	vld.idx.msk [tilespmem:v4+s3+$0x0], $0xffff  }
0x198: {  	v61 =	vadd.s32 $0x180, v8;
	[tilespmem:s13+$0xE450] =	vst v59;
	v62 =	vld.idx.msk [tilespmem:v9+s3+$0x0], $0xffff  }
0x199: {  	[tilespmem:s13+$0xE420] =	vst v5;
	v5 =	vadd.s32 $0x180, v11;
	v20 =	vld.idx.msk [tilespmem:v7+s3+$0x0], $0xffff  }
0x19a: {  	s17 =	sadd.s32 $0x7400, s13;
	v21 =	vadd.s32 $0x180, v12;
	[tilespmem:s13+$0xE430] =	vst v10;
	v15 =	vld.idx.msk [tilespmem:v58+s3+$0x0], $0xffff  }
0x19b: {  	v1 =	vadd.s32 $0x200, v1;
	[tilespmem:s17+$0xA870] =	vst v57;
	v10 =	vld.idx.msk [tilespmem:v60+s3+$0x0], $0xffff  }
0x19c: {  	v63 =	vadd.s32 $0x200, v2;
	[tilespmem:s13+$0xE440] =	vst v19;
	v13 =	vld.idx.msk [tilespmem:v0+s3+$0x0], $0xffff  }
0x19d: {  	v9 =	vld.idx.msk [tilespmem:v61+s3+$0x0], $0xffff;
	[tilespmem:s13+$0xE460] =	vst v4;
	v4 =	vadd.s32 $0x200, v3  }
0x19e: {  	v3 =	vadd.s32 $0x200, v6;
	[tilespmem:s13+$0x11C00] =	vst v62;
	v7 =	vld.idx.msk [tilespmem:v5+s3+$0x0], $0xffff  }
0x19f: {  	v2 =	vadd.s32 $0x200, v8;
	v5 =	vld.idx.msk [tilespmem:v21+s3+$0x0], $0xffff;
	[tilespmem:s17+$0xA810] =	vst v20  }
0x1a0: {  	v6 =	vld.idx.msk [tilespmem:v1+s3+$0x0], $0xffff;
	[tilespmem:s17+$0xA820] =	vst v15;
	v1 =	vadd.s32 $0x200, v11  }
0x1a1: {  	s14 =	simm.s32 $0x180;
	v0 =	vadd.s32 $0x200, v12;
	v8 =	vld.idx.msk [tilespmem:v63+s3+$0x0], $0xffff;
	[tilespmem:s17+$0xE070] =	vst v13  }
.LBB2_8:
0x1a2: {  	s14 =	sadd.s32 $0x8, s14;
	v4 =	vld.idx.msk [tilespmem:v4+s3+$0x0], $0xffff;
	[tilespmem:s17+$0xA830] =	vst v10  }
0x1a3: {  	s1 =	sadd.s32 $0x400, s1;
	s19 =	sshll.u32 s14, $0x4;
	p0 =	slt.u32 s14, $0x318;
	v3 =	vld.idx.msk [tilespmem:v3+s3+$0x0], $0xffff;
	[tilespmem:s17+$0xA840] =	vst v9  }
0x1a4: {  	s21 =	sand.u32 $0x400, s1;
	s22 =	sshll.u32 s14, $0x3;
	s19 =	sand.u32 $0x3800, s19;
	v2 =	vld.idx.msk [tilespmem:v2+s3+$0x0], $0xffff;
	[tilespmem:s17+$0xA850] =	vst v7  }
0x1a5: {  	s19 =	sor.u32 s21, s19;
	s21 =	sand.u32 $0x380, s22;
	v1 =	vld.idx.msk [tilespmem:v1+s3+$0x0], $0xffff;
	[tilespmem:s17+$0xA860] =	vst v5  }
0x1a6: {  	[tilespmem:s13+$0x15400] =	vst v6;
	s13 =	sor.u32 s21, s19;
	v0 =	vld.idx.msk [tilespmem:v0+s3+$0x0], $0xffff  }
0x1a7: {  	v5 =	vld [tilespmem:s13+$0x3C70];
	[tilespmem:s17+$0xE010] =	vst v8  }
0x1a8: {  	v6 =	vld [tilespmem:s13+$0x3C00];
	[tilespmem:s17+$0xE020] =	vst v4  }
0x1a9: {  	v4 =	vld [tilespmem:s13+$0x3C10];
	[tilespmem:s17+$0xE030] =	vst v3  }
0x1aa: {  	v3 =	vld [tilespmem:s13+$0x3C20];
	[tilespmem:s17+$0xE040] =	vst v2  }
0x1ab: {  	v2 =	vld [tilespmem:s13+$0x3C30];
	[tilespmem:s17+$0xE050] =	vst v1  }
0x1ac: {  	v1 =	vld [tilespmem:s13+$0x3C40];
	[tilespmem:s17+$0xE060] =	vst v0  }
0x1ad: {  	v7 =	vadd.s32 $0x80, v6;
	v8 =	vadd.s32 $0x100, v6;
	v9 =	vadd.s32 $0x180, v6;
	v0 =	vld [tilespmem:s13+$0x3C50]  }
0x1ae: {  	v10 =	vadd.s32 $0x80, v4;
	v11 =	vadd.s32 $0x100, v4;
	v12 =	vadd.s32 $0x180, v4;
	v13 =	vld [tilespmem:s13+$0x3C60]  }
0x1af: {  	v14 =	vadd.s32 $0x80, v3;
	v15 =	vadd.s32 $0x100, v3;
	v16 =	vadd.s32 $0x180, v3;
	v17 =	vld.idx.msk [tilespmem:v5+s3+$0x0], $0xffff  }
0x1b0: {  	v18 =	vld.idx.msk [tilespmem:v6+s3+$0x0], $0xffff;
	v19 =	vadd.s32 $0x80, v2;
	v20 =	vadd.s32 $0x100, v2;
	v21 =	vadd.s32 $0x180, v2  }
0x1b1: {  	v25 =	vadd.s32 $0x80, v5;
	v22 =	vld.idx.msk [tilespmem:v4+s3+$0x0], $0xffff;
	v23 =	vadd.s32 $0x80, v1;
	v24 =	vadd.s32 $0x100, v1  }
0x1b2: {  	v27 =	vadd.s32 $0x180, v1;
	v26 =	vld.idx.msk [tilespmem:v3+s3+$0x0], $0xffff;
	v28 =	vadd.s32 $0x80, v0;
	v29 =	vadd.s32 $0x100, v0  }
0x1b3: {  	v31 =	vadd.s32 $0x180, v0;
	v30 =	vld.idx.msk [tilespmem:v2+s3+$0x0], $0xffff;
	v32 =	vadd.s32 $0x80, v13;
	v33 =	vadd.s32 $0x100, v13  }
0x1b4: {  	v34 =	vadd.s32 $0x200, v4;
	v6 =	vadd.s32 $0x200, v6;
	v36 =	vadd.s32 $0x180, v13;
	v35 =	vld.idx.msk [tilespmem:v1+s3+$0x0], $0xffff  }
0x1b5: {  	v4 =	vadd.s32 $0x200, v3;
	v3 =	vadd.s32 $0x200, v2;
	v2 =	vadd.s32 $0x200, v1;
	v37 =	vld.idx.msk [tilespmem:v0+s3+$0x0], $0xffff;
	[tilespmem:s13+$0x7470] =	vst v17  }
0x1b6: {  	v1 =	vadd.s32 $0x200, v0;
	v0 =	vadd.s32 $0x200, v13;
	[tilespmem:s13+$0x7400] =	vst v18;
	v17 =	vld.idx.msk [tilespmem:v25+s3+$0x0], $0xffff  }
0x1b7: {  	[tilespmem:s13+$0x7410] =	vst v22;
	v13 =	vld.idx.msk [tilespmem:v13+s3+$0x0], $0xffff  }
0x1b8: {  	v18 =	vadd.s32 $0x100, v5;
	v7 =	vld.idx.msk [tilespmem:v7+s3+$0x0], $0xffff;
	[tilespmem:s13+$0x7420] =	vst v26  }
0x1b9: {  	v10 =	vld.idx.msk [tilespmem:v10+s3+$0x0], $0xffff;
	[tilespmem:s13+$0x7430] =	vst v30  }
0x1ba: {  	v14 =	vld.idx.msk [tilespmem:v14+s3+$0x0], $0xffff;
	[tilespmem:s13+$0x7440] =	vst v35  }
0x1bb: {  	v19 =	vld.idx.msk [tilespmem:v19+s3+$0x0], $0xffff;
	[tilespmem:s13+$0x7450] =	vst v37  }
0x1bc: {  	v22 =	vld.idx.msk [tilespmem:v23+s3+$0x0], $0xffff;
	[tilespmem:s13+$0xAC70] =	vst v17  }
0x1bd: {  	[tilespmem:s13+$0x7460] =	vst v13;
	v13 =	vld.idx.msk [tilespmem:v18+s3+$0x0], $0xffff  }
0x1be: {  	[tilespmem:s13+$0xAC00] =	vst v7;
	v7 =	vld.idx.msk [tilespmem:v28+s3+$0x0], $0xffff  }
0x1bf: {  	v17 =	vadd.s32 $0x180, v5;
	[tilespmem:s13+$0xAC10] =	vst v10;
	v10 =	vld.idx.msk [tilespmem:v32+s3+$0x0], $0xffff  }
0x1c0: {  	v8 =	vld.idx.msk [tilespmem:v8+s3+$0x0], $0xffff;
	[tilespmem:s13+$0xAC20] =	vst v14  }
0x1c1: {  	v11 =	vld.idx.msk [tilespmem:v11+s3+$0x0], $0xffff;
	[tilespmem:s13+$0xAC30] =	vst v19  }
0x1c2: {  	v14 =	vld.idx.msk [tilespmem:v15+s3+$0x0], $0xffff;
	[tilespmem:s13+$0xAC40] =	vst v22  }
0x1c3: {  	v15 =	vld.idx.msk [tilespmem:v20+s3+$0x0], $0xffff;
	[tilespmem:s13+$0xE470] =	vst v13  }
0x1c4: {  	[tilespmem:s13+$0xAC50] =	vst v7;
	v7 =	vld.idx.msk [tilespmem:v17+s3+$0x0], $0xffff  }
0x1c5: {  	v13 =	vld.idx.msk [tilespmem:v24+s3+$0x0], $0xffff;
	[tilespmem:s13+$0xAC60] =	vst v10  }
0x1c6: {  	v5 =	vadd.s32 $0x200, v5;
	[tilespmem:s13+$0xE400] =	vst v8;
	v8 =	vld.idx.msk [tilespmem:v29+s3+$0x0], $0xffff  }
0x1c7: {  	[tilespmem:s13+$0xE410] =	vst v11;
	v11 =	vld.idx.msk [tilespmem:v33+s3+$0x0], $0xffff  }
0x1c8: {  	v17 =	vld.idx.msk [tilespmem:v9+s3+$0x0], $0xffff;
	[tilespmem:s13+$0xE420] =	vst v14  }
0x1c9: {  	s17 =	sadd.s32 $0x7400, s13;
	v12 =	vld.idx.msk [tilespmem:v12+s3+$0x0], $0xffff;
	[tilespmem:s13+$0xE430] =	vst v15  }
0x1ca: {  	v14 =	vld.idx.msk [tilespmem:v16+s3+$0x0], $0xffff;
	[tilespmem:s17+$0xA870] =	vst v7  }
0x1cb: {  	[tilespmem:s13+$0xE440] =	vst v13;
	v13 =	vld.idx.msk [tilespmem:v5+s3+$0x0], $0xffff  }
0x1cc: {  	v10 =	vld.idx.msk [tilespmem:v21+s3+$0x0], $0xffff;
	[tilespmem:s13+$0xE450] =	vst v8  }
.Ltmp3:
0x1cd: {  	v9 =	vld.idx.msk [tilespmem:v27+s3+$0x0], $0xffff;
	[tilespmem:s13+$0xE460] =	vst v11;
	(pc) =	sbr.rel @p0 .LBB2_8-.Ltmp3, $4  }
0x1ce: {  	[tilespmem:s13+$0x11C00] =	vst v17;
	v7 =	vld.idx.msk [tilespmem:v31+s3+$0x0], $0xffff  }
0x1cf: {  	[tilespmem:s17+$0xA810] =	vst v12;
	v5 =	vld.idx.msk [tilespmem:v36+s3+$0x0], $0xffff  }
0x1d0: {  	v6 =	vld.idx.msk [tilespmem:v6+s3+$0x0], $0xffff;
	[tilespmem:s17+$0xA820] =	vst v14  }
0x1d1: {  	v8 =	vld.idx.msk [tilespmem:v34+s3+$0x0], $0xffff;
	[tilespmem:s17+$0xE070] =	vst v13  }
0x1d2: {  	_ =	sdelay $0x2  }
0x1d3: {  	[tilespmem:s17+$0xA830] =	vst v10  }
0x1d4: {  	v4 =	vld.idx.msk [tilespmem:v4+s3+$0x0], $0xffff;
	[tilespmem:s17+$0xA840] =	vst v9  }
0x1d5: {  	v3 =	vld.idx.msk [tilespmem:v3+s3+$0x0], $0xffff;
	[tilespmem:s17+$0xA850] =	vst v7  }
0x1d6: {  	v2 =	vld.idx.msk [tilespmem:v2+s3+$0x0], $0xffff;
	[tilespmem:s17+$0xA860] =	vst v5  }
0x1d7: {  	v1 =	vld.idx.msk [tilespmem:v1+s3+$0x0], $0xffff;
	[tilespmem:s13+$0x15400] =	vst v6  }
0x1d8: {  	v0 =	vld.idx.msk [tilespmem:v0+s3+$0x0], $0xffff;
	[tilespmem:s17+$0xE010] =	vst v8  }
0x1d9: {  	[tilespmem:s17+$0xE020] =	vst v4  }
0x1da: {  	[tilespmem:s17+$0xE030] =	vst v3  }
0x1db: {  	[tilespmem:s17+$0xE040] =	vst v2  }
0x1dc: {  	[tilespmem:s17+$0xE050] =	vst v1  }
0x1dd: {  	[tilespmem:s17+$0xE060] =	vst v0  }
0x1de: {  	[hbm4b:s9+s11] =	stream.strided.scatter [tilespmem:s24], [sflag:$0x4], $0x2000, s12, s11, $0x38;
	[tilespmem:$0x18C00] =	vst v63  }
0x1df: {  	s1 =	sadd.s32 $0x1C000, s9  }
0x1e0: {  	[hbm4b:s1+s11] =	stream.strided.scatter [tilespmem:s25], [sflag:$0x4], $0x2000, s12, s11, $0x38;
	[tilespmem:$0x18C00] =	vst v63  }
0x1e1: {  	s19 =	sadd.s32 $0x38000, s9  }
0x1e2: {  	[hbm4b:s19+s11] =	stream.strided.scatter [tilespmem:s26], [sflag:$0x4], $0x2000, s12, s11, $0x38;
	[tilespmem:$0x18C00] =	vst v63  }
0x1e3: {  	s21 =	sadd.s32 $0x54000, s9  }
0x1e4: {  	[hbm4b:s21+s11] =	stream.strided.scatter [tilespmem:s28], [sflag:$0x4], $0x2000, s12, s11, $0x38;
	[tilespmem:$0x18C00] =	vst v63  }
0x1e5: {  	s22 =	sadd.s32 $0x70000, s9;
	s2 =	sadd.s32 $0x1, s2  }
0x1e6: {  	[hbm4b:s22+s11] =	stream.strided.scatter [tilespmem:s29], [sflag:$0x4], $0x2000, s12, s11, $0x38;
	[tilespmem:$0x18C00] =	vst v63  }
0x1e7: {  	p0 =	sne.s32 s2, s10;
	_ =	swait.ge [sflag:s31], $0x7800  }
.Ltmp4:
0x1e8: {  	[sflag:s31] =	ssyncset.done $0x0;
	(pc) =	sbr.rel @p0 .LBB2_1-.Ltmp4, $4  }
0x1e9: {  	[sflag:s31] =	ssyncadd.s32 $0xFFFF8800  }
0x1ea: {  	_ =	swait.ge [sflag:s0], $0xA000  }
0x1eb: {  	[sflag:s0] =	ssyncset.done $0x0  }
0x1ec: {  	[sflag:s0] =	ssyncadd.s32 $0xFFFF6000  }
0x1ed: {  	_ =	sfence.sel $0x180000  }
0x1ee: {  	[bflag:$0x0] =	sbarrier.arrive $0xFFFF  }
0x1ef: {  	_ =	strace $0x90000047  }
0x1f0: {  	s0 =	stileid.u32;
	[bflag:$0x2] =	sbarrier.arrive $0xFFFF  }
0x1f1: {  	p0 =	sne.s32 s0, $0x0;
	s0 =	rddreg [dreg:$0x3]  }
0x1f2: {  	s0 =	sadd.s32 @!p0 $0x100000, s0  }
0x1f3: {  	[sflag:s0] =	ssyncadd.tile.s32 @!p0 $0x1;
	_ =	shalt  }
.Lfunc_end2:
_tile_overlayer_lowered:
.L_overlay_start_2:
0x1f4: {  	(tag) =	ssettag $0x2  }
0x1f5: {  	s0 =	rddreg [dreg:$0x0];
	s2 =	stileid.u32  }
0x1f6: {  	s1 =	rddreg [dreg:$0x1];
	p0 =	sne.s32 s2, $0x0  }
0x1f7: {  	s3 =	rddreg [dreg:$0x2];
	[bflag:$0x3] =	sbarrier.arrive $0xFFFF;
	s2 =	simm.s32 @!p0 $0x1C05  }
0x1f8: {  	[timem:s3], [sflag:s2] =	dma.local @!p0 [hbm:s0], s1  }
0x1f9: {  	s0 =	simm.s32 @!p0 $0x5  }
0x1fa: {  	_ =	swait.ge @!p0 [sflag:s0], s1  }
0x1fb: {  	s1 =	ssub.s32 @!p0 $0x0, s1;
	[sflag:s0] =	ssyncset.done @!p0 $0x0  }
0x1fc: {  	[sflag:s0] =	ssyncadd.s32 @!p0 s1  }
0x1fd: {  	[bflag:$0x3] =	sbarrier.arrive $0xFFFF  }
0x1fe: {  	_ =	shalt  }

</sc_bundles>
